<compile_context>
chip_gen: v7x
topology: tpu7x:2x2x1
jax: 0.10.2.dev20260603
libtpu: 0.0.44.dev20260713+nightly
codegen_flags: <defaults>
</compile_context>

<pallas_src>
import functools

import jax
import jax.numpy as jnp
from jax import lax
from jax.experimental import pallas as pl
from jax.experimental.pallas import tpu as pltpu
from jax.experimental.pallas import tpu_sc as plsc

_N = 10000
_E = 320000
_D = 128
_H = 128
_OUT = 10
_G = 128

_NC = 2
_NS = 16
_HD = _D // _NC
_CHUNK = 128
_CH_PER_TEC = 160
_WCH = 40
_NWIN = _CH_PER_TEC // _WCH
_E_PER_TEC = _CHUNK * _CH_PER_TEC
_E_PAD = _E_PER_TEC * _NS
_ROWS = 10240
_ZROWS = _ROWS // _NS


_NBUF = 2


def _sc_agg_body(xs_hbm, srcs_hbm, dsts_hbm, zeros_hbm, out_hbm,
                 x_sh, acc_sh, src_v, dst_v,
                 rows0_v, rows1_v, sem0, sem1):
    c = lax.axis_index("c")
    s = lax.axis_index("s")
    cp_x = pltpu.async_copy(xs_hbm.at[c, pl.ds(s * _ZROWS, _ZROWS)],
                            x_sh.at[pl.ds(s * _ZROWS, _ZROWS)], sem0)
    cp_z = pltpu.async_copy(zeros_hbm, acc_sh.at[pl.ds(s * _ZROWS, _ZROWS)],
                            sem1)
    cp_x.wait()
    cp_z.wait()
    plsc.subcore_barrier()

    rows = (rows0_v, rows1_v)
    sems = (sem0, sem1)

    def window(w, carry):
        pltpu.sync_copy(srcs_hbm.at[s, pl.ds(w * _WCH, _WCH)], src_v)
        pltpu.sync_copy(dsts_hbm.at[s, pl.ds(w * _WCH, _WCH)], dst_v)
        for b in range(_NBUF):
            pltpu.async_copy(x_sh.at[src_v.at[b]], rows[b], sems[b])

        def step(g, cy):
            for b in range(_NBUF):
                j = g * _NBUF + b
                pltpu.make_async_copy(x_sh.at[src_v.at[j]], rows[b],
                                      sems[b]).wait()
                pltpu.sync_copy(rows[b], acc_sh.at[dst_v.at[j]], add=True)
                pltpu.async_copy(x_sh.at[src_v.at[j + _NBUF]], rows[b],
                                 sems[b])
            return cy

        turns = _WCH // _NBUF - 1
        lax.fori_loop(0, turns, step, carry, unroll=False)
        for j in range(turns * _NBUF, _WCH):
            b = j % _NBUF
            pltpu.make_async_copy(x_sh.at[src_v.at[j]], rows[b],
                                  sems[b]).wait()
            pltpu.sync_copy(rows[b], acc_sh.at[dst_v.at[j]], add=True)
            if j + _NBUF < _WCH:
                pltpu.async_copy(x_sh.at[src_v.at[j + _NBUF]], rows[b],
                                 sems[b])
        return carry

    lax.fori_loop(0, _NWIN, window, 0, unroll=False)
    plsc.subcore_barrier()
    pltpu.sync_copy(acc_sh.at[pl.ds(s * _ZROWS, _ZROWS)],
                    out_hbm.at[c, pl.ds(s * _ZROWS, _ZROWS)])


@functools.cache
def _build_sc_agg():
    return functools.partial(
        pl.kernel,
        out_type=jax.ShapeDtypeStruct((_NC, _ROWS, _HD), jnp.float32),
        mesh=plsc.VectorSubcoreMesh(core_axis_name="c", subcore_axis_name="s",
                                    num_cores=_NC, num_subcores=_NS),
        scratch_types=[
            pltpu.VMEM_SHARED((_ROWS, _HD), jnp.float32),
            pltpu.VMEM_SHARED((_ROWS, _HD), jnp.float32),
            pltpu.VMEM((_WCH, _CHUNK), jnp.int32),
            pltpu.VMEM((_WCH, _CHUNK), jnp.int32),
            pltpu.VMEM((_CHUNK, _HD), jnp.float32),
            pltpu.VMEM((_CHUNK, _HD), jnp.float32),
            pltpu.SemaphoreType.DMA,
            pltpu.SemaphoreType.DMA,
        ],
    )(_sc_agg_body)


def _sc_agg(xs, srcs, dsts, zeros):
    return _build_sc_agg()(xs, srcs, dsts, zeros)


def _layer_body(xs_ref, a_ref, eps_ref, wa_ref, ba_ref, wb_ref, bb_ref,
                g_ref, be_ref, o_ref):
    x = jnp.concatenate([xs_ref[0, pl.ds(0, _N), :],
                         xs_ref[1, pl.ds(0, _N), :]], axis=1)
    agg = jnp.concatenate([a_ref[0, pl.ds(0, _N), :],
                           a_ref[1, pl.ds(0, _N), :]], axis=1)
    h = eps_ref[...] * x + agg
    h = jnp.maximum(jnp.dot(h, wa_ref[...], preferred_element_type=jnp.float32)
                    + ba_ref[...], 0.0)
    h = jnp.maximum(jnp.dot(h, wb_ref[...], preferred_element_type=jnp.float32)
                    + bb_ref[...], 0.0)
    mu = jnp.mean(h, axis=0)
    d = h - mu
    var = jnp.mean(d * d, axis=0)
    out = g_ref[...] * d * lax.rsqrt(var + 1e-5) + be_ref[...]
    o_ref[0, pl.ds(0, _N), :] = out[:, :_HD]
    o_ref[1, pl.ds(0, _N), :] = out[:, _HD:]


def _layer(xs, agg, eps, wa, ba, wb, bb, g, be):
    return pl.pallas_call(
        _layer_body,
        out_shape=jax.ShapeDtypeStruct((_NC, _ROWS, _HD), jnp.float32),
    )(xs, agg, jnp.reshape(1.0 + eps, (1, 1)), wa,
      jnp.reshape(ba, (1, _H)), wb, jnp.reshape(bb, (1, _H)),
      jnp.reshape(g, (1, _H)), jnp.reshape(be, (1, _H)))


def _layer3_head_body(xs_ref, a_ref, eps_ref, wa_ref, ba_ref, wb_ref, bb_ref,
                      g_ref, be_ref, bt_ref, l1w_ref, l1b_ref, l2w_ref,
                      l2b_ref, o_ref):
    x = jnp.concatenate([xs_ref[0, pl.ds(0, _N), :],
                         xs_ref[1, pl.ds(0, _N), :]], axis=1)
    agg = jnp.concatenate([a_ref[0, pl.ds(0, _N), :],
                           a_ref[1, pl.ds(0, _N), :]], axis=1)
    h = eps_ref[...] * x + agg
    h = jnp.maximum(jnp.dot(h, wa_ref[...], preferred_element_type=jnp.float32)
                    + ba_ref[...], 0.0)
    h = jnp.maximum(jnp.dot(h, wb_ref[...], preferred_element_type=jnp.float32)
                    + bb_ref[...], 0.0)
    mu = jnp.mean(h, axis=0)
    d = h - mu
    var = jnp.mean(d * d, axis=0)
    h = g_ref[...] * d * lax.rsqrt(var + 1e-5) + be_ref[...]
    onehot = (bt_ref[...][:, None]
              == lax.broadcasted_iota(jnp.int32, (1, _G), 1)).astype(jnp.float32)
    sums = lax.dot_general(onehot, h, (((0,), (0,)), ((), ())),
                           preferred_element_type=jnp.float32)
    cnt = jnp.sum(onehot, axis=0)
    pooled = sums / jnp.maximum(cnt, 1.0)[:, None]
    hh = jnp.maximum(jnp.dot(pooled, l1w_ref[...],
                             preferred_element_type=jnp.float32) + l1b_ref[...], 0.0)
    hh = jnp.dot(hh, l2w_ref[...], preferred_element_type=jnp.float32) + l2b_ref[...]
    m = jnp.max(hh, axis=-1, keepdims=True)
    lse = m + jnp.log(jnp.sum(jnp.exp(hh - m), axis=-1, keepdims=True))
    o_ref[...] = hh - lse


def _layer3_head(xs, agg, eps, wa, ba, wb, bb, g, be, batch, l1w, l1b, l2w,
                 l2b):
    return pl.pallas_call(
        _layer3_head_body,
        out_shape=jax.ShapeDtypeStruct((_G, _OUT), jnp.float32),
    )(xs, agg, jnp.reshape(1.0 + eps, (1, 1)), wa,
      jnp.reshape(ba, (1, _H)), wb, jnp.reshape(bb, (1, _H)),
      jnp.reshape(g, (1, _H)), jnp.reshape(be, (1, _H)),
      batch, l1w, jnp.reshape(l1b, (1, _H)), l2w, jnp.reshape(l2b, (1, _OUT)))


def kernel(x, edge_index, batch, eps1, W1a, b1a, W1b, b1b, g1, be1,
           eps2, W2a, b2a, W2b, b2b, g2, be2,
           eps3, W3a, b3a, W3b, b3b, g3, be3, l1W, l1b, l2W, l2b):
    src = edge_index[0]
    dst = edge_index[1]
    npad = _E_PAD - _E
    srcs = jnp.reshape(
        jnp.concatenate([src, jnp.zeros((npad,), jnp.int32)]),
        (_NS, _CH_PER_TEC, _CHUNK))
    dsts = jnp.reshape(
        jnp.concatenate([dst, jnp.full((npad,), _N, jnp.int32)]),
        (_NS, _CH_PER_TEC, _CHUNK))
    zeros = jnp.zeros((_ZROWS, _HD), jnp.float32)

    xp = jnp.pad(x, ((0, _ROWS - _N), (0, 0)))
    hs = jnp.stack([xp[:, :_HD], xp[:, _HD:]])

    for eps, wa, ba, wb, bb, g, be in (
            (eps1, W1a, b1a, W1b, b1b, g1, be1),
            (eps2, W2a, b2a, W2b, b2b, g2, be2)):
        agg = _sc_agg(hs, srcs, dsts, zeros)
        hs = _layer(hs, agg, eps, wa, ba, wb, bb, g, be)
    agg = _sc_agg(hs, srcs, dsts, zeros)
    return _layer3_head(hs, agg, eps3, W3a, b3a, W3b, b3b, g3, be3,
                        batch, l1W, l1b, l2W, l2b)

# --- scband reference (transcript-rebuilt; emitter-appended) ---
"""Pipeline reference for scband-gin-49409303773907 (READ-ONLY COPY).

The authoritative reference and input builder live on the scoring server;
editing this copy changes nothing except your own understanding.
"""

import jax, jax.numpy as jnp
import numpy as np

N = 10000
E = 320000
D = 128
H = 128
OUT = 10
G = 128


def _mlp_bn(h, Wa, ba, Wb, bb, g, be):
    h = jax.nn.relu(h @ Wa + ba)
    h = jax.nn.relu(h @ Wb + bb)
    mu = jnp.mean(h, axis=0)
    var = jnp.var(h, axis=0)
    return g * (h - mu) * jax.lax.rsqrt(var + 1e-5) + be


def _gin_layer(x, edge_index, eps, Wa, ba, Wb, bb, g, be):
    src = edge_index[0]
    dst = edge_index[1]
    agg = jax.ops.segment_sum(jnp.take(x, src, axis=0), dst, num_segments=N)
    h = (1.0 + eps) * x + agg
    return _mlp_bn(h, Wa, ba, Wb, bb, g, be)


def setup_inputs(seed: int = 0):
    key = jax.random.key(seed)
    ks = jax.random.split(key, 32)
    inp = {}
    inp['x'] = jax.random.normal(ks[0], (N, D), dtype=jnp.float32)
    inp['edge_index'] = jax.random.randint(ks[1], (2, E), 0, N, dtype=jnp.int32)
    inp['batch'] = jnp.sort(jax.random.randint(ks[2], (N,), 0, G, dtype=jnp.int32))
    sD = 1.0 / np.sqrt(D)
    sH = 1.0 / np.sqrt(H)
    for i, din in zip((1, 2, 3), (D, H, H)):
        s = 1.0 / np.sqrt(din)
        inp['eps%d' % i] = jnp.zeros((), dtype=jnp.float32)
        inp['W%da' % i] = jax.random.normal(ks[3 + 4 * i], (din, H), dtype=jnp.float32) * s
        inp['b%da' % i] = jnp.zeros((H,), dtype=jnp.float32)
        inp['W%db' % i] = jax.random.normal(ks[4 + 4 * i], (H, H), dtype=jnp.float32) * sH
        inp['b%db' % i] = jnp.zeros((H,), dtype=jnp.float32)
        inp['g%d' % i] = jnp.ones((H,), dtype=jnp.float32)
        inp['be%d' % i] = jnp.zeros((H,), dtype=jnp.float32)
    inp['l1W'] = jax.random.normal(ks[20], (H, H), dtype=jnp.float32) * sH
    inp['l1b'] = jnp.zeros((H,), dtype=jnp.float32)
    inp['l2W'] = jax.random.normal(ks[21], (H, OUT), dtype=jnp.float32) * sH
    inp['l2b'] = jnp.zeros((OUT,), dtype=jnp.float32)
    return inp


def reference(x, edge_index, batch, eps1, W1a, b1a, W1b, b1b, g1, be1, eps2, W2a, b2a, W2b, b2b, g2, be2, eps3, W3a, b3a, W3b, b3b, g3, be3, l1W, l1b, l2W, l2b):
    h = _gin_layer(x, edge_index, eps1, W1a, b1a, W1b, b1b, g1, be1)
    h = _gin_layer(h, edge_index, eps2, W2a, b2a, W2b, b2b, g2, be2)
    h = _gin_layer(h, edge_index, eps3, W3a, b3a, W3b, b3b, g3, be3)
    sums = jax.ops.segment_sum(h, batch, num_segments=G)
    cnt = jax.ops.segment_sum(jnp.ones((N,), dtype=jnp.float32), batch, num_segments=G)
    pooled = sums / jnp.maximum(cnt, 1.0)[:, None]
    h = jax.nn.relu(pooled @ l1W + l1b)
    h = h @ l2W + l2b
    return jax.nn.log_softmax(h, axis=-1)

if __name__ == "__main__":
    import jax
    _d = setup_inputs()
    print(jax.jit(kernel)(*tuple(_d.values())))

</pallas_src>

<mosaic_0001>
#map = affine_map<(d0, d1) -> (0, 0, 0)>
#map1 = affine_map<(d0, d1) -> (0, 0)>
module attributes {stable_mosaic.version = 14 : i64} {
  func.func @_sc_agg_body(%arg0: i32, %arg1: i32, %arg2: memref<2x10240x64xf32, #tpu.memory_space<hbm>>, %arg3: memref<16x160x128xi32, #tpu.memory_space<hbm>>, %arg4: memref<16x160x128xi32, #tpu.memory_space<hbm>>, %arg5: memref<640x64xf32, #tpu.memory_space<hbm>>, %arg6: memref<2x10240x64xf32, #tpu.memory_space<hbm>>, %arg7: memref<10240x64xf32, #tpu.memory_space<vmem_shared>>, %arg8: memref<10240x64xf32, #tpu.memory_space<vmem_shared>>, %arg9: memref<40x128xi32, #tpu.memory_space<vmem>>, %arg10: memref<40x128xi32, #tpu.memory_space<vmem>>, %arg11: memref<128x64xf32, #tpu.memory_space<vmem>>, %arg12: memref<128x64xf32, #tpu.memory_space<vmem>>, %arg13: memref<!tpu.dma_semaphore, #tpu.memory_space<semaphore_mem>>, %arg14: memref<!tpu.dma_semaphore, #tpu.memory_space<semaphore_mem>>) attributes {dimension_semantics = [#tpu.dimension_semantics<core_parallel>, #tpu.dimension_semantics<subcore_parallel>], iteration_bounds = array<i64: 2, 16>, scalar_prefetch = 0 : i64, scratch_operands = 8 : i64, tpu.core_type = #tpu.core_type<sc_vector_subcore>, window_params = [{transform_indices = #map}, {transform_indices = #map}, {transform_indices = #map}, {transform_indices = #map1}, {transform_indices = #map}]} {
    %mul3A = arith.constant 640 : i32
    %mul3A_0 = arith.muli %arg1, %mul3A : i32
    %mul3A_1 = arith.constant 640 : i32
    %mul3A_2 = arith.muli %arg1, %mul3A_1 : i32
    %dma_start3A = arith.constant 0 : i32
    %dma_start3A_3 = tpu.memref_slice %arg7[%mul3A_2, %dma_start3A] : memref<10240x64xf32, #tpu.memory_space<vmem_shared>> -> memref<640x64xf32, #tpu.memory_space<vmem_shared>>
    %dma_start3A_4 = arith.constant 0 : i32
    %dma_start3A_5 = tpu.memref_slice %arg2[%arg0, %mul3A_0, %dma_start3A_4] : memref<2x10240x64xf32, #tpu.memory_space<hbm>> -> memref<1x640x64xf32, #tpu.memory_space<hbm>>
    %dma_start3A_6 = tpu.memref_squeeze %dma_start3A_5 : memref<1x640x64xf32, #tpu.memory_space<hbm>> -> memref<640x64xf32, #tpu.memory_space<hbm>>
    tpu.enqueue_dma source(%dma_start3A_6 : memref<640x64xf32, #tpu.memory_space<hbm>>) target(%dma_start3A_3 : memref<640x64xf32, #tpu.memory_space<vmem_shared>>) target_semaphore(%arg13 : memref<!tpu.dma_semaphore, #tpu.memory_space<semaphore_mem>>)
    %mul3A_7 = arith.constant 640 : i32
    %mul3A_8 = arith.muli %arg1, %mul3A_7 : i32
    %dma_start3A_9 = arith.constant 0 : i32
    %dma_start3A_10 = tpu.memref_slice %arg8[%mul3A_8, %dma_start3A_9] : memref<10240x64xf32, #tpu.memory_space<vmem_shared>> -> memref<640x64xf32, #tpu.memory_space<vmem_shared>>
    tpu.enqueue_dma source(%arg5 : memref<640x64xf32, #tpu.memory_space<hbm>>) target(%dma_start3A_10 : memref<640x64xf32, #tpu.memory_space<vmem_shared>>) target_semaphore(%arg14 : memref<!tpu.dma_semaphore, #tpu.memory_space<semaphore_mem>>)
    %dma_wait3A = arith.constant 0 : i32
    %dma_wait3A_11 = tpu.memref_slice %arg7[%mul3A_2, %dma_wait3A] : memref<10240x64xf32, #tpu.memory_space<vmem_shared>> -> memref<640x64xf32, #tpu.memory_space<vmem_shared>>
    %dma_wait3A_12 = arith.constant 0 : i32
    %dma_wait3A_13 = tpu.memref_slice %arg2[%arg0, %mul3A_0, %dma_wait3A_12] : memref<2x10240x64xf32, #tpu.memory_space<hbm>> -> memref<1x640x64xf32, #tpu.memory_space<hbm>>
    %dma_wait3A_14 = tpu.memref_squeeze %dma_wait3A_13 : memref<1x640x64xf32, #tpu.memory_space<hbm>> -> memref<640x64xf32, #tpu.memory_space<hbm>>
    tpu.wait_dma2 semaphore(%arg13 : memref<!tpu.dma_semaphore, #tpu.memory_space<semaphore_mem>>) src(%dma_wait3A_14 : memref<640x64xf32, #tpu.memory_space<hbm>>) dst(%dma_wait3A_11 : memref<640x64xf32, #tpu.memory_space<vmem_shared>>)
    %dma_wait3A_15 = arith.constant 0 : i32
    %dma_wait3A_16 = tpu.memref_slice %arg8[%mul3A_8, %dma_wait3A_15] : memref<10240x64xf32, #tpu.memory_space<vmem_shared>> -> memref<640x64xf32, #tpu.memory_space<vmem_shared>>
    tpu.wait_dma2 semaphore(%arg14 : memref<!tpu.dma_semaphore, #tpu.memory_space<semaphore_mem>>) src(%arg5 : memref<640x64xf32, #tpu.memory_space<hbm>>) dst(%dma_wait3A_16 : memref<640x64xf32, #tpu.memory_space<vmem_shared>>)
    %barrier3A = arith.constant 0 : index
    tpu.barrier barrier_id(%barrier3A)
    %scan3A = arith.constant 0 : i32
    %scan3A_17 = arith.constant 0 : i32
    %scan3A_18 = arith.constant 4 : i32
    %scan3A_19 = arith.addi %scan3A_17, %scan3A_18 : i32
    %scan3A_20 = arith.constant 1 : i32
    scf.for %scan3A_27 = %scan3A_17 to %scan3A_19 step %scan3A_20  : i32 {
      %mul3A_28 = arith.constant 40 : i32
      %mul3A_29 = arith.muli %scan3A_27, %mul3A_28 : i32
      "tpu.region"() ({
        %run_scoped3A_66 = tpu.sem_alloc : memref<!tpu.dma_semaphore, #tpu.memory_space<semaphore_mem>>
        %dma_start3A_67 = arith.constant 0 : i32
        %dma_start3A_68 = tpu.memref_slice %arg3[%arg1, %mul3A_29, %dma_start3A_67] : memref<16x160x128xi32, #tpu.memory_space<hbm>> -> memref<1x40x128xi32, #tpu.memory_space<hbm>>
        %dma_start3A_69 = tpu.memref_squeeze %dma_start3A_68 : memref<1x40x128xi32, #tpu.memory_space<hbm>> -> memref<40x128xi32, #tpu.memory_space<hbm>>
        %dma_start3A_70 = arith.constant 0 : i32
        %dma_start3A_71 = tpu.memref_slice %arg3[%arg1, %mul3A_29, %dma_start3A_70] : memref<16x160x128xi32, #tpu.memory_space<hbm>> -> memref<1x40x128xi32, #tpu.memory_space<hbm>>
        %dma_start3A_72 = tpu.memref_squeeze %dma_start3A_71 : memref<1x40x128xi32, #tpu.memory_space<hbm>> -> memref<40x128xi32, #tpu.memory_space<hbm>>
        tpu.enqueue_dma source(%dma_start3A_72 : memref<40x128xi32, #tpu.memory_space<hbm>>) target(%arg9 : memref<40x128xi32, #tpu.memory_space<vmem>>) target_semaphore(%run_scoped3A_66 : memref<!tpu.dma_semaphore, #tpu.memory_space<semaphore_mem>>)
        %dma_wait3A_73 = arith.constant 0 : i32
        %dma_wait3A_74 = tpu.memref_slice %arg3[%arg1, %mul3A_29, %dma_wait3A_73] : memref<16x160x128xi32, #tpu.memory_space<hbm>> -> memref<1x40x128xi32, #tpu.memory_space<hbm>>
        %dma_wait3A_75 = tpu.memref_squeeze %dma_wait3A_74 : memref<1x40x128xi32, #tpu.memory_space<hbm>> -> memref<40x128xi32, #tpu.memory_space<hbm>>
        %dma_wait3A_76 = arith.constant 0 : i32
        %dma_wait3A_77 = tpu.memref_slice %arg3[%arg1, %mul3A_29, %dma_wait3A_76] : memref<16x160x128xi32, #tpu.memory_space<hbm>> -> memref<1x40x128xi32, #tpu.memory_space<hbm>>
        %dma_wait3A_78 = tpu.memref_squeeze %dma_wait3A_77 : memref<1x40x128xi32, #tpu.memory_space<hbm>> -> memref<40x128xi32, #tpu.memory_space<hbm>>
        tpu.wait_dma2 semaphore(%run_scoped3A_66 : memref<!tpu.dma_semaphore, #tpu.memory_space<semaphore_mem>>) src(%dma_wait3A_78 : memref<40x128xi32, #tpu.memory_space<hbm>>) dst(%arg9 : memref<40x128xi32, #tpu.memory_space<vmem>>)
        tpu.yield
      }) : () -> ()
      %mul3A_30 = arith.constant 40 : i32
      %mul3A_31 = arith.muli %scan3A_27, %mul3A_30 : i32
      "tpu.region"() ({
        %run_scoped3A_66 = tpu.sem_alloc : memref<!tpu.dma_semaphore, #tpu.memory_space<semaphore_mem>>
        %dma_start3A_67 = arith.constant 0 : i32
        %dma_start3A_68 = tpu.memref_slice %arg4[%arg1, %mul3A_31, %dma_start3A_67] : memref<16x160x128xi32, #tpu.memory_space<hbm>> -> memref<1x40x128xi32, #tpu.memory_space<hbm>>
        %dma_start3A_69 = tpu.memref_squeeze %dma_start3A_68 : memref<1x40x128xi32, #tpu.memory_space<hbm>> -> memref<40x128xi32, #tpu.memory_space<hbm>>
        %dma_start3A_70 = arith.constant 0 : i32
        %dma_start3A_71 = tpu.memref_slice %arg4[%arg1, %mul3A_31, %dma_start3A_70] : memref<16x160x128xi32, #tpu.memory_space<hbm>> -> memref<1x40x128xi32, #tpu.memory_space<hbm>>
        %dma_start3A_72 = tpu.memref_squeeze %dma_start3A_71 : memref<1x40x128xi32, #tpu.memory_space<hbm>> -> memref<40x128xi32, #tpu.memory_space<hbm>>
        tpu.enqueue_dma source(%dma_start3A_72 : memref<40x128xi32, #tpu.memory_space<hbm>>) target(%arg10 : memref<40x128xi32, #tpu.memory_space<vmem>>) target_semaphore(%run_scoped3A_66 : memref<!tpu.dma_semaphore, #tpu.memory_space<semaphore_mem>>)
        %dma_wait3A_73 = arith.constant 0 : i32
        %dma_wait3A_74 = tpu.memref_slice %arg4[%arg1, %mul3A_31, %dma_wait3A_73] : memref<16x160x128xi32, #tpu.memory_space<hbm>> -> memref<1x40x128xi32, #tpu.memory_space<hbm>>
        %dma_wait3A_75 = tpu.memref_squeeze %dma_wait3A_74 : memref<1x40x128xi32, #tpu.memory_space<hbm>> -> memref<40x128xi32, #tpu.memory_space<hbm>>
        %dma_wait3A_76 = arith.constant 0 : i32
        %dma_wait3A_77 = tpu.memref_slice %arg4[%arg1, %mul3A_31, %dma_wait3A_76] : memref<16x160x128xi32, #tpu.memory_space<hbm>> -> memref<1x40x128xi32, #tpu.memory_space<hbm>>
        %dma_wait3A_78 = tpu.memref_squeeze %dma_wait3A_77 : memref<1x40x128xi32, #tpu.memory_space<hbm>> -> memref<40x128xi32, #tpu.memory_space<hbm>>
        tpu.wait_dma2 semaphore(%run_scoped3A_66 : memref<!tpu.dma_semaphore, #tpu.memory_space<semaphore_mem>>) src(%dma_wait3A_78 : memref<40x128xi32, #tpu.memory_space<hbm>>) dst(%arg10 : memref<40x128xi32, #tpu.memory_space<vmem>>)
        tpu.yield
      }) : () -> ()
      %dma_start3A_32 = arith.constant 0 : i32
      %dma_start3A_33 = arith.constant 0 : i32
      %dma_start3A_34 = tpu.memref_slice %arg9[%dma_start3A_32, %dma_start3A_33] : memref<40x128xi32, #tpu.memory_space<vmem>> -> memref<1x128xi32, #tpu.memory_space<vmem>>
      %dma_start3A_35 = tpu.memref_squeeze %dma_start3A_34 : memref<1x128xi32, #tpu.memory_space<vmem>> -> memref<128xi32, #tpu.memory_space<vmem>>
      %dma_start3A_36 = arith.constant 0 : i32
      %dma_start3A_37 = arith.constant 0 : i32
      %dma_start3A_38 = tpu.memref_slice %arg7[%dma_start3A_36, %dma_start3A_37] : memref<10240x64xf32, #tpu.memory_space<vmem_shared>> -> memref<10240x64xf32, #tpu.memory_space<vmem_shared>>
      tpu.enqueue_indirect_dma source(%dma_start3A_38 : memref<10240x64xf32, #tpu.memory_space<vmem_shared>>) target(%arg11 : memref<128x64xf32, #tpu.memory_space<vmem>>) offsets(%dma_start3A_35 : memref<128xi32, #tpu.memory_space<vmem>>) semaphore(%arg13 : memref<!tpu.dma_semaphore, #tpu.memory_space<semaphore_mem>>)
      %dma_start3A_39 = arith.constant 1 : i32
      %dma_start3A_40 = arith.constant 0 : i32
      %dma_start3A_41 = tpu.memref_slice %arg9[%dma_start3A_39, %dma_start3A_40] : memref<40x128xi32, #tpu.memory_space<vmem>> -> memref<1x128xi32, #tpu.memory_space<vmem>>
      %dma_start3A_42 = tpu.memref_squeeze %dma_start3A_41 : memref<1x128xi32, #tpu.memory_space<vmem>> -> memref<128xi32, #tpu.memory_space<vmem>>
      %dma_start3A_43 = arith.constant 0 : i32
      %dma_start3A_44 = arith.constant 0 : i32
      %dma_start3A_45 = tpu.memref_slice %arg7[%dma_start3A_43, %dma_start3A_44] : memref<10240x64xf32, #tpu.memory_space<vmem_shared>> -> memref<10240x64xf32, #tpu.memory_space<vmem_shared>>
      tpu.enqueue_indirect_dma source(%dma_start3A_45 : memref<10240x64xf32, #tpu.memory_space<vmem_shared>>) target(%arg12 : memref<128x64xf32, #tpu.memory_space<vmem>>) offsets(%dma_start3A_42 : memref<128xi32, #tpu.memory_space<vmem>>) semaphore(%arg14 : memref<!tpu.dma_semaphore, #tpu.memory_space<semaphore_mem>>)
      %scan3A_46 = arith.constant 0 : i32
      %scan3A_47 = arith.constant 19 : i32
      %scan3A_48 = arith.addi %scan3A_46, %scan3A_47 : i32
      %scan3A_49 = arith.constant 1 : i32
      scf.for %scan3A_66 = %scan3A_46 to %scan3A_48 step %scan3A_49  : i32 {
        %mul3A_67 = arith.constant 2 : i32
        %mul3A_68 = arith.muli %scan3A_66, %mul3A_67 : i32
        %add3A = arith.constant 0 : i32
        %add3A_69 = arith.addi %mul3A_68, %add3A : i32
        %dma_wait3A_70 = arith.constant 0 : i32
        %dma_wait3A_71 = tpu.memref_slice %arg9[%add3A_69, %dma_wait3A_70] : memref<40x128xi32, #tpu.memory_space<vmem>> -> memref<1x128xi32, #tpu.memory_space<vmem>>
        %dma_wait3A_72 = tpu.memref_squeeze %dma_wait3A_71 : memref<1x128xi32, #tpu.memory_space<vmem>> -> memref<128xi32, #tpu.memory_space<vmem>>
        %dma_wait3A_73 = arith.constant 0 : i32
        %dma_wait3A_74 = arith.constant 0 : i32
        %dma_wait3A_75 = tpu.memref_slice %arg7[%dma_wait3A_73, %dma_wait3A_74] : memref<10240x64xf32, #tpu.memory_space<vmem_shared>> -> memref<10240x64xf32, #tpu.memory_space<vmem_shared>>
        tpu.wait_indirect_dma semaphore(%arg13 : memref<!tpu.dma_semaphore, #tpu.memory_space<semaphore_mem>>) src(%dma_wait3A_75 : memref<10240x64xf32, #tpu.memory_space<vmem_shared>>) dst(%arg11 : memref<128x64xf32, #tpu.memory_space<vmem>>)
        "tpu.region"() ({
          %run_scoped3A_102 = tpu.sem_alloc : memref<!tpu.dma_semaphore, #tpu.memory_space<semaphore_mem>>
          %dma_start3A_103 = arith.constant 0 : i32
          %dma_start3A_104 = tpu.memref_slice %arg10[%add3A_69, %dma_start3A_103] : memref<40x128xi32, #tpu.memory_space<vmem>> -> memref<1x128xi32, #tpu.memory_space<vmem>>
          %dma_start3A_105 = tpu.memref_squeeze %dma_start3A_104 : memref<1x128xi32, #tpu.memory_space<vmem>> -> memref<128xi32, #tpu.memory_space<vmem>>
          %dma_start3A_106 = arith.constant 0 : i32
          %dma_start3A_107 = arith.constant 0 : i32
          %dma_start3A_108 = tpu.memref_slice %arg8[%dma_start3A_106, %dma_start3A_107] : memref<10240x64xf32, #tpu.memory_space<vmem_shared>> -> memref<10240x64xf32, #tpu.memory_space<vmem_shared>>
          tpu.enqueue_indirect_dma source(%arg11 : memref<128x64xf32, #tpu.memory_space<vmem>>) target(%dma_start3A_108 : memref<10240x64xf32, #tpu.memory_space<vmem_shared>>) offsets(%dma_start3A_105 : memref<128xi32, #tpu.memory_space<vmem>>) semaphore(%run_scoped3A_102 : memref<!tpu.dma_semaphore, #tpu.memory_space<semaphore_mem>>) {add = true}
          %dma_wait3A_109 = arith.constant 0 : i32
          %dma_wait3A_110 = tpu.memref_slice %arg10[%add3A_69, %dma_wait3A_109] : memref<40x128xi32, #tpu.memory_space<vmem>> -> memref<1x128xi32, #tpu.memory_space<vmem>>
          %dma_wait3A_111 = tpu.memref_squeeze %dma_wait3A_110 : memref<1x128xi32, #tpu.memory_space<vmem>> -> memref<128xi32, #tpu.memory_space<vmem>>
          %dma_wait3A_112 = arith.constant 0 : i32
          %dma_wait3A_113 = arith.constant 0 : i32
          %dma_wait3A_114 = tpu.memref_slice %arg8[%dma_wait3A_112, %dma_wait3A_113] : memref<10240x64xf32, #tpu.memory_space<vmem_shared>> -> memref<10240x64xf32, #tpu.memory_space<vmem_shared>>
          tpu.wait_indirect_dma semaphore(%run_scoped3A_102 : memref<!tpu.dma_semaphore, #tpu.memory_space<semaphore_mem>>) src(%arg11 : memref<128x64xf32, #tpu.memory_space<vmem>>) dst(%dma_wait3A_114 : memref<10240x64xf32, #tpu.memory_space<vmem_shared>>)
          tpu.yield
        }) : () -> ()
        %add3A_76 = arith.constant 2 : i32
        %add3A_77 = arith.addi %add3A_69, %add3A_76 : i32
        %dma_start3A_78 = arith.constant 0 : i32
        %dma_start3A_79 = tpu.memref_slice %arg9[%add3A_77, %dma_start3A_78] : memref<40x128xi32, #tpu.memory_space<vmem>> -> memref<1x128xi32, #tpu.memory_space<vmem>>
        %dma_start3A_80 = tpu.memref_squeeze %dma_start3A_79 : memref<1x128xi32, #tpu.memory_space<vmem>> -> memref<128xi32, #tpu.memory_space<vmem>>
        %dma_start3A_81 = arith.constant 0 : i32
        %dma_start3A_82 = arith.constant 0 : i32
        %dma_start3A_83 = tpu.memref_slice %arg7[%dma_start3A_81, %dma_start3A_82] : memref<10240x64xf32, #tpu.memory_space<vmem_shared>> -> memref<10240x64xf32, #tpu.memory_space<vmem_shared>>
        tpu.enqueue_indirect_dma source(%dma_start3A_83 : memref<10240x64xf32, #tpu.memory_space<vmem_shared>>) target(%arg11 : memref<128x64xf32, #tpu.memory_space<vmem>>) offsets(%dma_start3A_80 : memref<128xi32, #tpu.memory_space<vmem>>) semaphore(%arg13 : memref<!tpu.dma_semaphore, #tpu.memory_space<semaphore_mem>>)
        %mul3A_84 = arith.constant 2 : i32
        %mul3A_85 = arith.muli %scan3A_66, %mul3A_84 : i32
        %add3A_86 = arith.constant 1 : i32
        %add3A_87 = arith.addi %mul3A_85, %add3A_86 : i32
        %dma_wait3A_88 = arith.constant 0 : i32
        %dma_wait3A_89 = tpu.memref_slice %arg9[%add3A_87, %dma_wait3A_88] : memref<40x128xi32, #tpu.memory_space<vmem>> -> memref<1x128xi32, #tpu.memory_space<vmem>>
        %dma_wait3A_90 = tpu.memref_squeeze %dma_wait3A_89 : memref<1x128xi32, #tpu.memory_space<vmem>> -> memref<128xi32, #tpu.memory_space<vmem>>
        %dma_wait3A_91 = arith.constant 0 : i32
        %dma_wait3A_92 = arith.constant 0 : i32
        %dma_wait3A_93 = tpu.memref_slice %arg7[%dma_wait3A_91, %dma_wait3A_92] : memref<10240x64xf32, #tpu.memory_space<vmem_shared>> -> memref<10240x64xf32, #tpu.memory_space<vmem_shared>>
        tpu.wait_indirect_dma semaphore(%arg14 : memref<!tpu.dma_semaphore, #tpu.memory_space<semaphore_mem>>) src(%dma_wait3A_93 : memref<10240x64xf32, #tpu.memory_space<vmem_shared>>) dst(%arg12 : memref<128x64xf32, #tpu.memory_space<vmem>>)
        "tpu.region"() ({
          %run_scoped3A_102 = tpu.sem_alloc : memref<!tpu.dma_semaphore, #tpu.memory_space<semaphore_mem>>
          %dma_start3A_103 = arith.constant 0 : i32
          %dma_start3A_104 = tpu.memref_slice %arg10[%add3A_87, %dma_start3A_103] : memref<40x128xi32, #tpu.memory_space<vmem>> -> memref<1x128xi32, #tpu.memory_space<vmem>>
          %dma_start3A_105 = tpu.memref_squeeze %dma_start3A_104 : memref<1x128xi32, #tpu.memory_space<vmem>> -> memref<128xi32, #tpu.memory_space<vmem>>
          %dma_start3A_106 = arith.constant 0 : i32
          %dma_start3A_107 = arith.constant 0 : i32
          %dma_start3A_108 = tpu.memref_slice %arg8[%dma_start3A_106, %dma_start3A_107] : memref<10240x64xf32, #tpu.memory_space<vmem_shared>> -> memref<10240x64xf32, #tpu.memory_space<vmem_shared>>
          tpu.enqueue_indirect_dma source(%arg12 : memref<128x64xf32, #tpu.memory_space<vmem>>) target(%dma_start3A_108 : memref<10240x64xf32, #tpu.memory_space<vmem_shared>>) offsets(%dma_start3A_105 : memref<128xi32, #tpu.memory_space<vmem>>) semaphore(%run_scoped3A_102 : memref<!tpu.dma_semaphore, #tpu.memory_space<semaphore_mem>>) {add = true}
          %dma_wait3A_109 = arith.constant 0 : i32
          %dma_wait3A_110 = tpu.memref_slice %arg10[%add3A_87, %dma_wait3A_109] : memref<40x128xi32, #tpu.memory_space<vmem>> -> memref<1x128xi32, #tpu.memory_space<vmem>>
          %dma_wait3A_111 = tpu.memref_squeeze %dma_wait3A_110 : memref<1x128xi32, #tpu.memory_space<vmem>> -> memref<128xi32, #tpu.memory_space<vmem>>
          %dma_wait3A_112 = arith.constant 0 : i32
          %dma_wait3A_113 = arith.constant 0 : i32
          %dma_wait3A_114 = tpu.memref_slice %arg8[%dma_wait3A_112, %dma_wait3A_113] : memref<10240x64xf32, #tpu.memory_space<vmem_shared>> -> memref<10240x64xf32, #tpu.memory_space<vmem_shared>>
          tpu.wait_indirect_dma semaphore(%run_scoped3A_102 : memref<!tpu.dma_semaphore, #tpu.memory_space<semaphore_mem>>) src(%arg12 : memref<128x64xf32, #tpu.memory_space<vmem>>) dst(%dma_wait3A_114 : memref<10240x64xf32, #tpu.memory_space<vmem_shared>>)
          tpu.yield
        }) : () -> ()
        %add3A_94 = arith.constant 2 : i32
        %add3A_95 = arith.addi %add3A_87, %add3A_94 : i32
        %dma_start3A_96 = arith.constant 0 : i32
        %dma_start3A_97 = tpu.memref_slice %arg9[%add3A_95, %dma_start3A_96] : memref<40x128xi32, #tpu.memory_space<vmem>> -> memref<1x128xi32, #tpu.memory_space<vmem>>
        %dma_start3A_98 = tpu.memref_squeeze %dma_start3A_97 : memref<1x128xi32, #tpu.memory_space<vmem>> -> memref<128xi32, #tpu.memory_space<vmem>>
        %dma_start3A_99 = arith.constant 0 : i32
        %dma_start3A_100 = arith.constant 0 : i32
        %dma_start3A_101 = tpu.memref_slice %arg7[%dma_start3A_99, %dma_start3A_100] : memref<10240x64xf32, #tpu.memory_space<vmem_shared>> -> memref<10240x64xf32, #tpu.memory_space<vmem_shared>>
        tpu.enqueue_indirect_dma source(%dma_start3A_101 : memref<10240x64xf32, #tpu.memory_space<vmem_shared>>) target(%arg12 : memref<128x64xf32, #tpu.memory_space<vmem>>) offsets(%dma_start3A_98 : memref<128xi32, #tpu.memory_space<vmem>>) semaphore(%arg14 : memref<!tpu.dma_semaphore, #tpu.memory_space<semaphore_mem>>)
      }
      %scan3A_50 = arith.constant 19 : i32
      %dma_wait3A_51 = arith.constant 38 : i32
      %dma_wait3A_52 = arith.constant 0 : i32
      %dma_wait3A_53 = tpu.memref_slice %arg9[%dma_wait3A_51, %dma_wait3A_52] : memref<40x128xi32, #tpu.memory_space<vmem>> -> memref<1x128xi32, #tpu.memory_space<vmem>>
      %dma_wait3A_54 = tpu.memref_squeeze %dma_wait3A_53 : memref<1x128xi32, #tpu.memory_space<vmem>> -> memref<128xi32, #tpu.memory_space<vmem>>
      %dma_wait3A_55 = arith.constant 0 : i32
      %dma_wait3A_56 = arith.constant 0 : i32
      %dma_wait3A_57 = tpu.memref_slice %arg7[%dma_wait3A_55, %dma_wait3A_56] : memref<10240x64xf32, #tpu.memory_space<vmem_shared>> -> memref<10240x64xf32, #tpu.memory_space<vmem_shared>>
      tpu.wait_indirect_dma semaphore(%arg13 : memref<!tpu.dma_semaphore, #tpu.memory_space<semaphore_mem>>) src(%dma_wait3A_57 : memref<10240x64xf32, #tpu.memory_space<vmem_shared>>) dst(%arg11 : memref<128x64xf32, #tpu.memory_space<vmem>>)
      %run_scoped3A = arith.constant 38 : i32
      "tpu.region"() ({
        %run_scoped3A_66 = tpu.sem_alloc : memref<!tpu.dma_semaphore, #tpu.memory_space<semaphore_mem>>
        %dma_start3A_67 = arith.constant 0 : i32
        %dma_start3A_68 = tpu.memref_slice %arg10[%run_scoped3A, %dma_start3A_67] : memref<40x128xi32, #tpu.memory_space<vmem>> -> memref<1x128xi32, #tpu.memory_space<vmem>>
        %dma_start3A_69 = tpu.memref_squeeze %dma_start3A_68 : memref<1x128xi32, #tpu.memory_space<vmem>> -> memref<128xi32, #tpu.memory_space<vmem>>
        %dma_start3A_70 = arith.constant 0 : i32
        %dma_start3A_71 = arith.constant 0 : i32
        %dma_start3A_72 = tpu.memref_slice %arg8[%dma_start3A_70, %dma_start3A_71] : memref<10240x64xf32, #tpu.memory_space<vmem_shared>> -> memref<10240x64xf32, #tpu.memory_space<vmem_shared>>
        tpu.enqueue_indirect_dma source(%arg11 : memref<128x64xf32, #tpu.memory_space<vmem>>) target(%dma_start3A_72 : memref<10240x64xf32, #tpu.memory_space<vmem_shared>>) offsets(%dma_start3A_69 : memref<128xi32, #tpu.memory_space<vmem>>) semaphore(%run_scoped3A_66 : memref<!tpu.dma_semaphore, #tpu.memory_space<semaphore_mem>>) {add = true}
        %dma_wait3A_73 = arith.constant 0 : i32
        %dma_wait3A_74 = tpu.memref_slice %arg10[%run_scoped3A, %dma_wait3A_73] : memref<40x128xi32, #tpu.memory_space<vmem>> -> memref<1x128xi32, #tpu.memory_space<vmem>>
        %dma_wait3A_75 = tpu.memref_squeeze %dma_wait3A_74 : memref<1x128xi32, #tpu.memory_space<vmem>> -> memref<128xi32, #tpu.memory_space<vmem>>
        %dma_wait3A_76 = arith.constant 0 : i32
        %dma_wait3A_77 = arith.constant 0 : i32
        %dma_wait3A_78 = tpu.memref_slice %arg8[%dma_wait3A_76, %dma_wait3A_77] : memref<10240x64xf32, #tpu.memory_space<vmem_shared>> -> memref<10240x64xf32, #tpu.memory_space<vmem_shared>>
        tpu.wait_indirect_dma semaphore(%run_scoped3A_66 : memref<!tpu.dma_semaphore, #tpu.memory_space<semaphore_mem>>) src(%arg11 : memref<128x64xf32, #tpu.memory_space<vmem>>) dst(%dma_wait3A_78 : memref<10240x64xf32, #tpu.memory_space<vmem_shared>>)
        tpu.yield
      }) : () -> ()
      %dma_wait3A_58 = arith.constant 39 : i32
      %dma_wait3A_59 = arith.constant 0 : i32
      %dma_wait3A_60 = tpu.memref_slice %arg9[%dma_wait3A_58, %dma_wait3A_59] : memref<40x128xi32, #tpu.memory_space<vmem>> -> memref<1x128xi32, #tpu.memory_space<vmem>>
      %dma_wait3A_61 = tpu.memref_squeeze %dma_wait3A_60 : memref<1x128xi32, #tpu.memory_space<vmem>> -> memref<128xi32, #tpu.memory_space<vmem>>
      %dma_wait3A_62 = arith.constant 0 : i32
      %dma_wait3A_63 = arith.constant 0 : i32
      %dma_wait3A_64 = tpu.memref_slice %arg7[%dma_wait3A_62, %dma_wait3A_63] : memref<10240x64xf32, #tpu.memory_space<vmem_shared>> -> memref<10240x64xf32, #tpu.memory_space<vmem_shared>>
      tpu.wait_indirect_dma semaphore(%arg14 : memref<!tpu.dma_semaphore, #tpu.memory_space<semaphore_mem>>) src(%dma_wait3A_64 : memref<10240x64xf32, #tpu.memory_space<vmem_shared>>) dst(%arg12 : memref<128x64xf32, #tpu.memory_space<vmem>>)
      %run_scoped3A_65 = arith.constant 39 : i32
      "tpu.region"() ({
        %run_scoped3A_66 = tpu.sem_alloc : memref<!tpu.dma_semaphore, #tpu.memory_space<semaphore_mem>>
        %dma_start3A_67 = arith.constant 0 : i32
        %dma_start3A_68 = tpu.memref_slice %arg10[%run_scoped3A_65, %dma_start3A_67] : memref<40x128xi32, #tpu.memory_space<vmem>> -> memref<1x128xi32, #tpu.memory_space<vmem>>
        %dma_start3A_69 = tpu.memref_squeeze %dma_start3A_68 : memref<1x128xi32, #tpu.memory_space<vmem>> -> memref<128xi32, #tpu.memory_space<vmem>>
        %dma_start3A_70 = arith.constant 0 : i32
        %dma_start3A_71 = arith.constant 0 : i32
        %dma_start3A_72 = tpu.memref_slice %arg8[%dma_start3A_70, %dma_start3A_71] : memref<10240x64xf32, #tpu.memory_space<vmem_shared>> -> memref<10240x64xf32, #tpu.memory_space<vmem_shared>>
        tpu.enqueue_indirect_dma source(%arg12 : memref<128x64xf32, #tpu.memory_space<vmem>>) target(%dma_start3A_72 : memref<10240x64xf32, #tpu.memory_space<vmem_shared>>) offsets(%dma_start3A_69 : memref<128xi32, #tpu.memory_space<vmem>>) semaphore(%run_scoped3A_66 : memref<!tpu.dma_semaphore, #tpu.memory_space<semaphore_mem>>) {add = true}
        %dma_wait3A_73 = arith.constant 0 : i32
        %dma_wait3A_74 = tpu.memref_slice %arg10[%run_scoped3A_65, %dma_wait3A_73] : memref<40x128xi32, #tpu.memory_space<vmem>> -> memref<1x128xi32, #tpu.memory_space<vmem>>
        %dma_wait3A_75 = tpu.memref_squeeze %dma_wait3A_74 : memref<1x128xi32, #tpu.memory_space<vmem>> -> memref<128xi32, #tpu.memory_space<vmem>>
        %dma_wait3A_76 = arith.constant 0 : i32
        %dma_wait3A_77 = arith.constant 0 : i32
        %dma_wait3A_78 = tpu.memref_slice %arg8[%dma_wait3A_76, %dma_wait3A_77] : memref<10240x64xf32, #tpu.memory_space<vmem_shared>> -> memref<10240x64xf32, #tpu.memory_space<vmem_shared>>
        tpu.wait_indirect_dma semaphore(%run_scoped3A_66 : memref<!tpu.dma_semaphore, #tpu.memory_space<semaphore_mem>>) src(%arg12 : memref<128x64xf32, #tpu.memory_space<vmem>>) dst(%dma_wait3A_78 : memref<10240x64xf32, #tpu.memory_space<vmem_shared>>)
        tpu.yield
      }) : () -> ()
    }
    %scan3A_21 = arith.constant 4 : i32
    %barrier3A_22 = arith.constant 0 : index
    tpu.barrier barrier_id(%barrier3A_22)
    %mul3A_23 = arith.constant 640 : i32
    %mul3A_24 = arith.muli %arg1, %mul3A_23 : i32
    %mul3A_25 = arith.constant 640 : i32
    %mul3A_26 = arith.muli %arg1, %mul3A_25 : i32
    "tpu.region"() ({
      %run_scoped3A = tpu.sem_alloc : memref<!tpu.dma_semaphore, #tpu.memory_space<semaphore_mem>>
      %dma_start3A_27 = arith.constant 0 : i32
      %dma_start3A_28 = tpu.memref_slice %arg6[%arg0, %mul3A_26, %dma_start3A_27] : memref<2x10240x64xf32, #tpu.memory_space<hbm>> -> memref<1x640x64xf32, #tpu.memory_space<hbm>>
      %dma_start3A_29 = tpu.memref_squeeze %dma_start3A_28 : memref<1x640x64xf32, #tpu.memory_space<hbm>> -> memref<640x64xf32, #tpu.memory_space<hbm>>
      %dma_start3A_30 = arith.constant 0 : i32
      %dma_start3A_31 = tpu.memref_slice %arg8[%mul3A_24, %dma_start3A_30] : memref<10240x64xf32, #tpu.memory_space<vmem_shared>> -> memref<640x64xf32, #tpu.memory_space<vmem_shared>>
      tpu.enqueue_dma source(%dma_start3A_31 : memref<640x64xf32, #tpu.memory_space<vmem_shared>>) target(%dma_start3A_29 : memref<640x64xf32, #tpu.memory_space<hbm>>) target_semaphore(%run_scoped3A : memref<!tpu.dma_semaphore, #tpu.memory_space<semaphore_mem>>)
      %dma_wait3A_32 = arith.constant 0 : i32
      %dma_wait3A_33 = tpu.memref_slice %arg6[%arg0, %mul3A_26, %dma_wait3A_32] : memref<2x10240x64xf32, #tpu.memory_space<hbm>> -> memref<1x640x64xf32, #tpu.memory_space<hbm>>
      %dma_wait3A_34 = tpu.memref_squeeze %dma_wait3A_33 : memref<1x640x64xf32, #tpu.memory_space<hbm>> -> memref<640x64xf32, #tpu.memory_space<hbm>>
      %dma_wait3A_35 = arith.constant 0 : i32
      %dma_wait3A_36 = tpu.memref_slice %arg8[%mul3A_24, %dma_wait3A_35] : memref<10240x64xf32, #tpu.memory_space<vmem_shared>> -> memref<640x64xf32, #tpu.memory_space<vmem_shared>>
      tpu.wait_dma2 semaphore(%run_scoped3A : memref<!tpu.dma_semaphore, #tpu.memory_space<semaphore_mem>>) src(%dma_wait3A_36 : memref<640x64xf32, #tpu.memory_space<vmem_shared>>) dst(%dma_wait3A_34 : memref<640x64xf32, #tpu.memory_space<hbm>>)
      tpu.yield
    }) : () -> ()
    return
  }
}

#map = affine_map<(d0, d1) -> (0, 0, 0)>
#map1 = affine_map<(d0, d1) -> (0, 0)>
module attributes {stable_mosaic.version = 14 : i64} {
  func.func @_sc_agg_body(%arg0: i32, %arg1: i32, %arg2: memref<2x10240x64xf32, #tpu.memory_space<hbm>>, %arg3: memref<16x160x128xi32, #tpu.memory_space<hbm>>, %arg4: memref<16x160x128xi32, #tpu.memory_space<hbm>>, %arg5: memref<640x64xf32, #tpu.memory_space<hbm>>, %arg6: memref<2x10240x64xf32, #tpu.memory_space<hbm>>, %arg7: memref<10240x64xf32, #tpu.memory_space<vmem_shared>>, %arg8: memref<10240x64xf32, #tpu.memory_space<vmem_shared>>, %arg9: memref<40x128xi32, #tpu.memory_space<vmem>>, %arg10: memref<40x128xi32, #tpu.memory_space<vmem>>, %arg11: memref<128x64xf32, #tpu.memory_space<vmem>>, %arg12: memref<128x64xf32, #tpu.memory_space<vmem>>, %arg13: memref<!tpu.dma_semaphore, #tpu.memory_space<semaphore_mem>>, %arg14: memref<!tpu.dma_semaphore, #tpu.memory_space<semaphore_mem>>) attributes {dimension_semantics = [#tpu.dimension_semantics<core_parallel>, #tpu.dimension_semantics<subcore_parallel>], iteration_bounds = array<i64: 2, 16>, scalar_prefetch = 0 : i64, scratch_operands = 8 : i64, tpu.core_type = #tpu.core_type<sc_vector_subcore>, window_params = [{transform_indices = #map}, {transform_indices = #map}, {transform_indices = #map}, {transform_indices = #map1}, {transform_indices = #map}]} {
    %mul3A = arith.constant 640 : i32
    %mul3A_0 = arith.muli %arg1, %mul3A : i32
    %mul3A_1 = arith.constant 640 : i32
    %mul3A_2 = arith.muli %arg1, %mul3A_1 : i32
    %dma_start3A = arith.constant 0 : i32
    %dma_start3A_3 = tpu.memref_slice %arg7[%mul3A_2, %dma_start3A] : memref<10240x64xf32, #tpu.memory_space<vmem_shared>> -> memref<640x64xf32, #tpu.memory_space<vmem_shared>>
    %dma_start3A_4 = arith.constant 0 : i32
    %dma_start3A_5 = tpu.memref_slice %arg2[%arg0, %mul3A_0, %dma_start3A_4] : memref<2x10240x64xf32, #tpu.memory_space<hbm>> -> memref<1x640x64xf32, #tpu.memory_space<hbm>>
    %dma_start3A_6 = tpu.memref_squeeze %dma_start3A_5 : memref<1x640x64xf32, #tpu.memory_space<hbm>> -> memref<640x64xf32, #tpu.memory_space<hbm>>
    tpu.enqueue_dma source(%dma_start3A_6 : memref<640x64xf32, #tpu.memory_space<hbm>>) target(%dma_start3A_3 : memref<640x64xf32, #tpu.memory_space<vmem_shared>>) target_semaphore(%arg13 : memref<!tpu.dma_semaphore, #tpu.memory_space<semaphore_mem>>)
    %mul3A_7 = arith.constant 640 : i32
    %mul3A_8 = arith.muli %arg1, %mul3A_7 : i32
    %dma_start3A_9 = arith.constant 0 : i32
    %dma_start3A_10 = tpu.memref_slice %arg8[%mul3A_8, %dma_start3A_9] : memref<10240x64xf32, #tpu.memory_space<vmem_shared>> -> memref<640x64xf32, #tpu.memory_space<vmem_shared>>
    tpu.enqueue_dma source(%arg5 : memref<640x64xf32, #tpu.memory_space<hbm>>) target(%dma_start3A_10 : memref<640x64xf32, #tpu.memory_space<vmem_shared>>) target_semaphore(%arg14 : memref<!tpu.dma_semaphore, #tpu.memory_space<semaphore_mem>>)
    %dma_wait3A = arith.constant 0 : i32
    %dma_wait3A_11 = tpu.memref_slice %arg7[%mul3A_2, %dma_wait3A] : memref<10240x64xf32, #tpu.memory_space<vmem_shared>> -> memref<640x64xf32, #tpu.memory_space<vmem_shared>>
    %dma_wait3A_12 = arith.constant 0 : i32
    %dma_wait3A_13 = tpu.memref_slice %arg2[%arg0, %mul3A_0, %dma_wait3A_12] : memref<2x10240x64xf32, #tpu.memory_space<hbm>> -> memref<1x640x64xf32, #tpu.memory_space<hbm>>
    %dma_wait3A_14 = tpu.memref_squeeze %dma_wait3A_13 : memref<1x640x64xf32, #tpu.memory_space<hbm>> -> memref<640x64xf32, #tpu.memory_space<hbm>>
    tpu.wait_dma2 semaphore(%arg13 : memref<!tpu.dma_semaphore, #tpu.memory_space<semaphore_mem>>) src(%dma_wait3A_14 : memref<640x64xf32, #tpu.memory_space<hbm>>) dst(%dma_wait3A_11 : memref<640x64xf32, #tpu.memory_space<vmem_shared>>)
    %dma_wait3A_15 = arith.constant 0 : i32
    %dma_wait3A_16 = tpu.memref_slice %arg8[%mul3A_8, %dma_wait3A_15] : memref<10240x64xf32, #tpu.memory_space<vmem_shared>> -> memref<640x64xf32, #tpu.memory_space<vmem_shared>>
    tpu.wait_dma2 semaphore(%arg14 : memref<!tpu.dma_semaphore, #tpu.memory_space<semaphore_mem>>) src(%arg5 : memref<640x64xf32, #tpu.memory_space<hbm>>) dst(%dma_wait3A_16 : memref<640x64xf32, #tpu.memory_space<vmem_shared>>)
    %barrier3A = arith.constant 0 : index
    tpu.barrier barrier_id(%barrier3A)
    %scan3A = arith.constant 0 : i32
    %scan3A_17 = arith.constant 0 : i32
    %scan3A_18 = arith.constant 4 : i32
    %scan3A_19 = arith.addi %scan3A_17, %scan3A_18 : i32
    %scan3A_20 = arith.constant 1 : i32
    scf.for %scan3A_27 = %scan3A_17 to %scan3A_19 step %scan3A_20  : i32 {
      %mul3A_28 = arith.constant 40 : i32
      %mul3A_29 = arith.muli %scan3A_27, %mul3A_28 : i32
      "tpu.region"() ({
        %run_scoped3A_66 = tpu.sem_alloc : memref<!tpu.dma_semaphore, #tpu.memory_space<semaphore_mem>>
        %dma_start3A_67 = arith.constant 0 : i32
        %dma_start3A_68 = tpu.memref_slice %arg3[%arg1, %mul3A_29, %dma_start3A_67] : memref<16x160x128xi32, #tpu.memory_space<hbm>> -> memref<1x40x128xi32, #tpu.memory_space<hbm>>
        %dma_start3A_69 = tpu.memref_squeeze %dma_start3A_68 : memref<1x40x128xi32, #tpu.memory_space<hbm>> -> memref<40x128xi32, #tpu.memory_space<hbm>>
        %dma_start3A_70 = arith.constant 0 : i32
        %dma_start3A_71 = tpu.memref_slice %arg3[%arg1, %mul3A_29, %dma_start3A_70] : memref<16x160x128xi32, #tpu.memory_space<hbm>> -> memref<1x40x128xi32, #tpu.memory_space<hbm>>
        %dma_start3A_72 = tpu.memref_squeeze %dma_start3A_71 : memref<1x40x128xi32, #tpu.memory_space<hbm>> -> memref<40x128xi32, #tpu.memory_space<hbm>>
        tpu.enqueue_dma source(%dma_start3A_72 : memref<40x128xi32, #tpu.memory_space<hbm>>) target(%arg9 : memref<40x128xi32, #tpu.memory_space<vmem>>) target_semaphore(%run_scoped3A_66 : memref<!tpu.dma_semaphore, #tpu.memory_space<semaphore_mem>>)
        %dma_wait3A_73 = arith.constant 0 : i32
        %dma_wait3A_74 = tpu.memref_slice %arg3[%arg1, %mul3A_29, %dma_wait3A_73] : memref<16x160x128xi32, #tpu.memory_space<hbm>> -> memref<1x40x128xi32, #tpu.memory_space<hbm>>
        %dma_wait3A_75 = tpu.memref_squeeze %dma_wait3A_74 : memref<1x40x128xi32, #tpu.memory_space<hbm>> -> memref<40x128xi32, #tpu.memory_space<hbm>>
        %dma_wait3A_76 = arith.constant 0 : i32
        %dma_wait3A_77 = tpu.memref_slice %arg3[%arg1, %mul3A_29, %dma_wait3A_76] : memref<16x160x128xi32, #tpu.memory_space<hbm>> -> memref<1x40x128xi32, #tpu.memory_space<hbm>>
        %dma_wait3A_78 = tpu.memref_squeeze %dma_wait3A_77 : memref<1x40x128xi32, #tpu.memory_space<hbm>> -> memref<40x128xi32, #tpu.memory_space<hbm>>
        tpu.wait_dma2 semaphore(%run_scoped3A_66 : memref<!tpu.dma_semaphore, #tpu.memory_space<semaphore_mem>>) src(%dma_wait3A_78 : memref<40x128xi32, #tpu.memory_space<hbm>>) dst(%arg9 : memref<40x128xi32, #tpu.memory_space<vmem>>)
        tpu.yield
      }) : () -> ()
      %mul3A_30 = arith.constant 40 : i32
      %mul3A_31 = arith.muli %scan3A_27, %mul3A_30 : i32
      "tpu.region"() ({
        %run_scoped3A_66 = tpu.sem_alloc : memref<!tpu.dma_semaphore, #tpu.memory_space<semaphore_mem>>
        %dma_start3A_67 = arith.constant 0 : i32
        %dma_start3A_68 = tpu.memref_slice %arg4[%arg1, %mul3A_31, %dma_start3A_67] : memref<16x160x128xi32, #tpu.memory_space<hbm>> -> memref<1x40x128xi32, #tpu.memory_space<hbm>>
        %dma_start3A_69 = tpu.memref_squeeze %dma_start3A_68 : memref<1x40x128xi32, #tpu.memory_space<hbm>> -> memref<40x128xi32, #tpu.memory_space<hbm>>
        %dma_start3A_70 = arith.constant 0 : i32
        %dma_start3A_71 = tpu.memref_slice %arg4[%arg1, %mul3A_31, %dma_start3A_70] : memref<16x160x128xi32, #tpu.memory_space<hbm>> -> memref<1x40x128xi32, #tpu.memory_space<hbm>>
        %dma_start3A_72 = tpu.memref_squeeze %dma_start3A_71 : memref<1x40x128xi32, #tpu.memory_space<hbm>> -> memref<40x128xi32, #tpu.memory_space<hbm>>
        tpu.enqueue_dma source(%dma_start3A_72 : memref<40x128xi32, #tpu.memory_space<hbm>>) target(%arg10 : memref<40x128xi32, #tpu.memory_space<vmem>>) target_semaphore(%run_scoped3A_66 : memref<!tpu.dma_semaphore, #tpu.memory_space<semaphore_mem>>)
        %dma_wait3A_73 = arith.constant 0 : i32
        %dma_wait3A_74 = tpu.memref_slice %arg4[%arg1, %mul3A_31, %dma_wait3A_73] : memref<16x160x128xi32, #tpu.memory_space<hbm>> -> memref<1x40x128xi32, #tpu.memory_space<hbm>>
        %dma_wait3A_75 = tpu.memref_squeeze %dma_wait3A_74 : memref<1x40x128xi32, #tpu.memory_space<hbm>> -> memref<40x128xi32, #tpu.memory_space<hbm>>
        %dma_wait3A_76 = arith.constant 0 : i32
        %dma_wait3A_77 = tpu.memref_slice %arg4[%arg1, %mul3A_31, %dma_wait3A_76] : memref<16x160x128xi32, #tpu.memory_space<hbm>> -> memref<1x40x128xi32, #tpu.memory_space<hbm>>
        %dma_wait3A_78 = tpu.memref_squeeze %dma_wait3A_77 : memref<1x40x128xi32, #tpu.memory_space<hbm>> -> memref<40x128xi32, #tpu.memory_space<hbm>>
        tpu.wait_dma2 semaphore(%run_scoped3A_66 : memref<!tpu.dma_semaphore, #tpu.memory_space<semaphore_mem>>) src(%dma_wait3A_78 : memref<40x128xi32, #tpu.memory_space<hbm>>) dst(%arg10 : memref<40x128xi32, #tpu.memory_space<vmem>>)
        tpu.yield
      }) : () -> ()
      %dma_start3A_32 = arith.constant 0 : i32
      %dma_start3A_33 = arith.constant 0 : i32
      %dma_start3A_34 = tpu.memref_slice %arg9[%dma_start3A_32, %dma_start3A_33] : memref<40x128xi32, #tpu.memory_space<vmem>> -> memref<1x128xi32, #tpu.memory_space<vmem>>
      %dma_start3A_35 = tpu.memref_squeeze %dma_start3A_34 : memref<1x128xi32, #tpu.memory_space<vmem>> -> memref<128xi32, #tpu.memory_space<vmem>>
      %dma_start3A_36 = arith.constant 0 : i32
      %dma_start3A_37 = arith.constant 0 : i32
      %dma_start3A_38 = tpu.memref_slice %arg7[%dma_start3A_36, %dma_start3A_37] : memref<10240x64xf32, #tpu.memory_space<vmem_shared>> -> memref<10240x64xf32, #tpu.memory_space<vmem_shared>>
      tpu.enqueue_indirect_dma source(%dma_start3A_38 : memref<10240x64xf32, #tpu.memory_space<vmem_shared>>) target(%arg11 : memref<128x64xf32, #tpu.memory_space<vmem>>) offsets(%dma_start3A_35 : memref<128xi32, #tpu.memory_space<vmem>>) semaphore(%arg13 : memref<!tpu.dma_semaphore, #tpu.memory_space<semaphore_mem>>)
      %dma_start3A_39 = arith.constant 1 : i32
      %dma_start3A_40 = arith.constant 0 : i32
      %dma_start3A_41 = tpu.memref_slice %arg9[%dma_start3A_39, %dma_start3A_40] : memref<40x128xi32, #tpu.memory_space<vmem>> -> memref<1x128xi32, #tpu.memory_space<vmem>>
      %dma_start3A_42 = tpu.memref_squeeze %dma_start3A_41 : memref<1x128xi32, #tpu.memory_space<vmem>> -> memref<128xi32, #tpu.memory_space<vmem>>
      %dma_start3A_43 = arith.constant 0 : i32
      %dma_start3A_44 = arith.constant 0 : i32
      %dma_start3A_45 = tpu.memref_slice %arg7[%dma_start3A_43, %dma_start3A_44] : memref<10240x64xf32, #tpu.memory_space<vmem_shared>> -> memref<10240x64xf32, #tpu.memory_space<vmem_shared>>
      tpu.enqueue_indirect_dma source(%dma_start3A_45 : memref<10240x64xf32, #tpu.memory_space<vmem_shared>>) target(%arg12 : memref<128x64xf32, #tpu.memory_space<vmem>>) offsets(%dma_start3A_42 : memref<128xi32, #tpu.memory_space<vmem>>) semaphore(%arg14 : memref<!tpu.dma_semaphore, #tpu.memory_space<semaphore_mem>>)
      %scan3A_46 = arith.constant 0 : i32
      %scan3A_47 = arith.constant 19 : i32
      %scan3A_48 = arith.addi %scan3A_46, %scan3A_47 : i32
      %scan3A_49 = arith.constant 1 : i32
      scf.for %scan3A_66 = %scan3A_46 to %scan3A_48 step %scan3A_49  : i32 {
        %mul3A_67 = arith.constant 2 : i32
        %mul3A_68 = arith.muli %scan3A_66, %mul3A_67 : i32
        %add3A = arith.constant 0 : i32
        %add3A_69 = arith.addi %mul3A_68, %add3A : i32
        %dma_wait3A_70 = arith.constant 0 : i32
        %dma_wait3A_71 = tpu.memref_slice %arg9[%add3A_69, %dma_wait3A_70] : memref<40x128xi32, #tpu.memory_space<vmem>> -> memref<1x128xi32, #tpu.memory_space<vmem>>
        %dma_wait3A_72 = tpu.memref_squeeze %dma_wait3A_71 : memref<1x128xi32, #tpu.memory_space<vmem>> -> memref<128xi32, #tpu.memory_space<vmem>>
        %dma_wait3A_73 = arith.constant 0 : i32
        %dma_wait3A_74 = arith.constant 0 : i32
        %dma_wait3A_75 = tpu.memref_slice %arg7[%dma_wait3A_73, %dma_wait3A_74] : memref<10240x64xf32, #tpu.memory_space<vmem_shared>> -> memref<10240x64xf32, #tpu.memory_space<vmem_shared>>
        tpu.wait_indirect_dma semaphore(%arg13 : memref<!tpu.dma_semaphore, #tpu.memory_space<semaphore_mem>>) src(%dma_wait3A_75 : memref<10240x64xf32, #tpu.memory_space<vmem_shared>>) dst(%arg11 : memref<128x64xf32, #tpu.memory_space<vmem>>)
        "tpu.region"() ({
          %run_scoped3A_102 = tpu.sem_alloc : memref<!tpu.dma_semaphore, #tpu.memory_space<semaphore_mem>>
          %dma_start3A_103 = arith.constant 0 : i32
          %dma_start3A_104 = tpu.memref_slice %arg10[%add3A_69, %dma_start3A_103] : memref<40x128xi32, #tpu.memory_space<vmem>> -> memref<1x128xi32, #tpu.memory_space<vmem>>
          %dma_start3A_105 = tpu.memref_squeeze %dma_start3A_104 : memref<1x128xi32, #tpu.memory_space<vmem>> -> memref<128xi32, #tpu.memory_space<vmem>>
          %dma_start3A_106 = arith.constant 0 : i32
          %dma_start3A_107 = arith.constant 0 : i32
          %dma_start3A_108 = tpu.memref_slice %arg8[%dma_start3A_106, %dma_start3A_107] : memref<10240x64xf32, #tpu.memory_space<vmem_shared>> -> memref<10240x64xf32, #tpu.memory_space<vmem_shared>>
          tpu.enqueue_indirect_dma source(%arg11 : memref<128x64xf32, #tpu.memory_space<vmem>>) target(%dma_start3A_108 : memref<10240x64xf32, #tpu.memory_space<vmem_shared>>) offsets(%dma_start3A_105 : memref<128xi32, #tpu.memory_space<vmem>>) semaphore(%run_scoped3A_102 : memref<!tpu.dma_semaphore, #tpu.memory_space<semaphore_mem>>) {add = true}
          %dma_wait3A_109 = arith.constant 0 : i32
          %dma_wait3A_110 = tpu.memref_slice %arg10[%add3A_69, %dma_wait3A_109] : memref<40x128xi32, #tpu.memory_space<vmem>> -> memref<1x128xi32, #tpu.memory_space<vmem>>
          %dma_wait3A_111 = tpu.memref_squeeze %dma_wait3A_110 : memref<1x128xi32, #tpu.memory_space<vmem>> -> memref<128xi32, #tpu.memory_space<vmem>>
          %dma_wait3A_112 = arith.constant 0 : i32
          %dma_wait3A_113 = arith.constant 0 : i32
          %dma_wait3A_114 = tpu.memref_slice %arg8[%dma_wait3A_112, %dma_wait3A_113] : memref<10240x64xf32, #tpu.memory_space<vmem_shared>> -> memref<10240x64xf32, #tpu.memory_space<vmem_shared>>
          tpu.wait_indirect_dma semaphore(%run_scoped3A_102 : memref<!tpu.dma_semaphore, #tpu.memory_space<semaphore_mem>>) src(%arg11 : memref<128x64xf32, #tpu.memory_space<vmem>>) dst(%dma_wait3A_114 : memref<10240x64xf32, #tpu.memory_space<vmem_shared>>)
          tpu.yield
        }) : () -> ()
        %add3A_76 = arith.constant 2 : i32
        %add3A_77 = arith.addi %add3A_69, %add3A_76 : i32
        %dma_start3A_78 = arith.constant 0 : i32
        %dma_start3A_79 = tpu.memref_slice %arg9[%add3A_77, %dma_start3A_78] : memref<40x128xi32, #tpu.memory_space<vmem>> -> memref<1x128xi32, #tpu.memory_space<vmem>>
        %dma_start3A_80 = tpu.memref_squeeze %dma_start3A_79 : memref<1x128xi32, #tpu.memory_space<vmem>> -> memref<128xi32, #tpu.memory_space<vmem>>
        %dma_start3A_81 = arith.constant 0 : i32
        %dma_start3A_82 = arith.constant 0 : i32
        %dma_start3A_83 = tpu.memref_slice %arg7[%dma_start3A_81, %dma_start3A_82] : memref<10240x64xf32, #tpu.memory_space<vmem_shared>> -> memref<10240x64xf32, #tpu.memory_space<vmem_shared>>
        tpu.enqueue_indirect_dma source(%dma_start3A_83 : memref<10240x64xf32, #tpu.memory_space<vmem_shared>>) target(%arg11 : memref<128x64xf32, #tpu.memory_space<vmem>>) offsets(%dma_start3A_80 : memref<128xi32, #tpu.memory_space<vmem>>) semaphore(%arg13 : memref<!tpu.dma_semaphore, #tpu.memory_space<semaphore_mem>>)
        %mul3A_84 = arith.constant 2 : i32
        %mul3A_85 = arith.muli %scan3A_66, %mul3A_84 : i32
        %add3A_86 = arith.constant 1 : i32
        %add3A_87 = arith.addi %mul3A_85, %add3A_86 : i32
        %dma_wait3A_88 = arith.constant 0 : i32
        %dma_wait3A_89 = tpu.memref_slice %arg9[%add3A_87, %dma_wait3A_88] : memref<40x128xi32, #tpu.memory_space<vmem>> -> memref<1x128xi32, #tpu.memory_space<vmem>>
        %dma_wait3A_90 = tpu.memref_squeeze %dma_wait3A_89 : memref<1x128xi32, #tpu.memory_space<vmem>> -> memref<128xi32, #tpu.memory_space<vmem>>
        %dma_wait3A_91 = arith.constant 0 : i32
        %dma_wait3A_92 = arith.constant 0 : i32
        %dma_wait3A_93 = tpu.memref_slice %arg7[%dma_wait3A_91, %dma_wait3A_92] : memref<10240x64xf32, #tpu.memory_space<vmem_shared>> -> memref<10240x64xf32, #tpu.memory_space<vmem_shared>>
        tpu.wait_indirect_dma semaphore(%arg14 : memref<!tpu.dma_semaphore, #tpu.memory_space<semaphore_mem>>) src(%dma_wait3A_93 : memref<10240x64xf32, #tpu.memory_space<vmem_shared>>) dst(%arg12 : memref<128x64xf32, #tpu.memory_space<vmem>>)
        "tpu.region"() ({
          %run_scoped3A_102 = tpu.sem_alloc : memref<!tpu.dma_semaphore, #tpu.memory_space<semaphore_mem>>
          %dma_start3A_103 = arith.constant 0 : i32
          %dma_start3A_104 = tpu.memref_slice %arg10[%add3A_87, %dma_start3A_103] : memref<40x128xi32, #tpu.memory_space<vmem>> -> memref<1x128xi32, #tpu.memory_space<vmem>>
          %dma_start3A_105 = tpu.memref_squeeze %dma_start3A_104 : memref<1x128xi32, #tpu.memory_space<vmem>> -> memref<128xi32, #tpu.memory_space<vmem>>
          %dma_start3A_106 = arith.constant 0 : i32
          %dma_start3A_107 = arith.constant 0 : i32
          %dma_start3A_108 = tpu.memref_slice %arg8[%dma_start3A_106, %dma_start3A_107] : memref<10240x64xf32, #tpu.memory_space<vmem_shared>> -> memref<10240x64xf32, #tpu.memory_space<vmem_shared>>
          tpu.enqueue_indirect_dma source(%arg12 : memref<128x64xf32, #tpu.memory_space<vmem>>) target(%dma_start3A_108 : memref<10240x64xf32, #tpu.memory_space<vmem_shared>>) offsets(%dma_start3A_105 : memref<128xi32, #tpu.memory_space<vmem>>) semaphore(%run_scoped3A_102 : memref<!tpu.dma_semaphore, #tpu.memory_space<semaphore_mem>>) {add = true}
          %dma_wait3A_109 = arith.constant 0 : i32
          %dma_wait3A_110 = tpu.memref_slice %arg10[%add3A_87, %dma_wait3A_109] : memref<40x128xi32, #tpu.memory_space<vmem>> -> memref<1x128xi32, #tpu.memory_space<vmem>>
          %dma_wait3A_111 = tpu.memref_squeeze %dma_wait3A_110 : memref<1x128xi32, #tpu.memory_space<vmem>> -> memref<128xi32, #tpu.memory_space<vmem>>
          %dma_wait3A_112 = arith.constant 0 : i32
          %dma_wait3A_113 = arith.constant 0 : i32
          %dma_wait3A_114 = tpu.memref_slice %arg8[%dma_wait3A_112, %dma_wait3A_113] : memref<10240x64xf32, #tpu.memory_space<vmem_shared>> -> memref<10240x64xf32, #tpu.memory_space<vmem_shared>>
          tpu.wait_indirect_dma semaphore(%run_scoped3A_102 : memref<!tpu.dma_semaphore, #tpu.memory_space<semaphore_mem>>) src(%arg12 : memref<128x64xf32, #tpu.memory_space<vmem>>) dst(%dma_wait3A_114 : memref<10240x64xf32, #tpu.memory_space<vmem_shared>>)
          tpu.yield
        }) : () -> ()
        %add3A_94 = arith.constant 2 : i32
        %add3A_95 = arith.addi %add3A_87, %add3A_94 : i32
        %dma_start3A_96 = arith.constant 0 : i32
        %dma_start3A_97 = tpu.memref_slice %arg9[%add3A_95, %dma_start3A_96] : memref<40x128xi32, #tpu.memory_space<vmem>> -> memref<1x128xi32, #tpu.memory_space<vmem>>
        %dma_start3A_98 = tpu.memref_squeeze %dma_start3A_97 : memref<1x128xi32, #tpu.memory_space<vmem>> -> memref<128xi32, #tpu.memory_space<vmem>>
        %dma_start3A_99 = arith.constant 0 : i32
        %dma_start3A_100 = arith.constant 0 : i32
        %dma_start3A_101 = tpu.memref_slice %arg7[%dma_start3A_99, %dma_start3A_100] : memref<10240x64xf32, #tpu.memory_space<vmem_shared>> -> memref<10240x64xf32, #tpu.memory_space<vmem_shared>>
        tpu.enqueue_indirect_dma source(%dma_start3A_101 : memref<10240x64xf32, #tpu.memory_space<vmem_shared>>) target(%arg12 : memref<128x64xf32, #tpu.memory_space<vmem>>) offsets(%dma_start3A_98 : memref<128xi32, #tpu.memory_space<vmem>>) semaphore(%arg14 : memref<!tpu.dma_semaphore, #tpu.memory_space<semaphore_mem>>)
      }
      %scan3A_50 = arith.constant 19 : i32
      %dma_wait3A_51 = arith.constant 38 : i32
      %dma_wait3A_52 = arith.constant 0 : i32
      %dma_wait3A_53 = tpu.memref_slice %arg9[%dma_wait3A_51, %dma_wait3A_52] : memref<40x128xi32, #tpu.memory_space<vmem>> -> memref<1x128xi32, #tpu.memory_space<vmem>>
      %dma_wait3A_54 = tpu.memref_squeeze %dma_wait3A_53 : memref<1x128xi32, #tpu.memory_space<vmem>> -> memref<128xi32, #tpu.memory_space<vmem>>
      %dma_wait3A_55 = arith.constant 0 : i32
      %dma_wait3A_56 = arith.constant 0 : i32
      %dma_wait3A_57 = tpu.memref_slice %arg7[%dma_wait3A_55, %dma_wait3A_56] : memref<10240x64xf32, #tpu.memory_space<vmem_shared>> -> memref<10240x64xf32, #tpu.memory_space<vmem_shared>>
      tpu.wait_indirect_dma semaphore(%arg13 : memref<!tpu.dma_semaphore, #tpu.memory_space<semaphore_mem>>) src(%dma_wait3A_57 : memref<10240x64xf32, #tpu.memory_space<vmem_shared>>) dst(%arg11 : memref<128x64xf32, #tpu.memory_space<vmem>>)
      %run_scoped3A = arith.constant 38 : i32
      "tpu.region"() ({
        %run_scoped3A_66 = tpu.sem_alloc : memref<!tpu.dma_semaphore, #tpu.memory_space<semaphore_mem>>
        %dma_start3A_67 = arith.constant 0 : i32
        %dma_start3A_68 = tpu.memref_slice %arg10[%run_scoped3A, %dma_start3A_67] : memref<40x128xi32, #tpu.memory_space<vmem>> -> memref<1x128xi32, #tpu.memory_space<vmem>>
        %dma_start3A_69 = tpu.memref_squeeze %dma_start3A_68 : memref<1x128xi32, #tpu.memory_space<vmem>> -> memref<128xi32, #tpu.memory_space<vmem>>
        %dma_start3A_70 = arith.constant 0 : i32
        %dma_start3A_71 = arith.constant 0 : i32
        %dma_start3A_72 = tpu.memref_slice %arg8[%dma_start3A_70, %dma_start3A_71] : memref<10240x64xf32, #tpu.memory_space<vmem_shared>> -> memref<10240x64xf32, #tpu.memory_space<vmem_shared>>
        tpu.enqueue_indirect_dma source(%arg11 : memref<128x64xf32, #tpu.memory_space<vmem>>) target(%dma_start3A_72 : memref<10240x64xf32, #tpu.memory_space<vmem_shared>>) offsets(%dma_start3A_69 : memref<128xi32, #tpu.memory_space<vmem>>) semaphore(%run_scoped3A_66 : memref<!tpu.dma_semaphore, #tpu.memory_space<semaphore_mem>>) {add = true}
        %dma_wait3A_73 = arith.constant 0 : i32
        %dma_wait3A_74 = tpu.memref_slice %arg10[%run_scoped3A, %dma_wait3A_73] : memref<40x128xi32, #tpu.memory_space<vmem>> -> memref<1x128xi32, #tpu.memory_space<vmem>>
        %dma_wait3A_75 = tpu.memref_squeeze %dma_wait3A_74 : memref<1x128xi32, #tpu.memory_space<vmem>> -> memref<128xi32, #tpu.memory_space<vmem>>
        %dma_wait3A_76 = arith.constant 0 : i32
        %dma_wait3A_77 = arith.constant 0 : i32
        %dma_wait3A_78 = tpu.memref_slice %arg8[%dma_wait3A_76, %dma_wait3A_77] : memref<10240x64xf32, #tpu.memory_space<vmem_shared>> -> memref<10240x64xf32, #tpu.memory_space<vmem_shared>>
        tpu.wait_indirect_dma semaphore(%run_scoped3A_66 : memref<!tpu.dma_semaphore, #tpu.memory_space<semaphore_mem>>) src(%arg11 : memref<128x64xf32, #tpu.memory_space<vmem>>) dst(%dma_wait3A_78 : memref<10240x64xf32, #tpu.memory_space<vmem_shared>>)
        tpu.yield
      }) : () -> ()
      %dma_wait3A_58 = arith.constant 39 : i32
      %dma_wait3A_59 = arith.constant 0 : i32
      %dma_wait3A_60 = tpu.memref_slice %arg9[%dma_wait3A_58, %dma_wait3A_59] : memref<40x128xi32, #tpu.memory_space<vmem>> -> memref<1x128xi32, #tpu.memory_space<vmem>>
      %dma_wait3A_61 = tpu.memref_squeeze %dma_wait3A_60 : memref<1x128xi32, #tpu.memory_space<vmem>> -> memref<128xi32, #tpu.memory_space<vmem>>
      %dma_wait3A_62 = arith.constant 0 : i32
      %dma_wait3A_63 = arith.constant 0 : i32
      %dma_wait3A_64 = tpu.memref_slice %arg7[%dma_wait3A_62, %dma_wait3A_63] : memref<10240x64xf32, #tpu.memory_space<vmem_shared>> -> memref<10240x64xf32, #tpu.memory_space<vmem_shared>>
      tpu.wait_indirect_dma semaphore(%arg14 : memref<!tpu.dma_semaphore, #tpu.memory_space<semaphore_mem>>) src(%dma_wait3A_64 : memref<10240x64xf32, #tpu.memory_space<vmem_shared>>) dst(%arg12 : memref<128x64xf32, #tpu.memory_space<vmem>>)
      %run_scoped3A_65 = arith.constant 39 : i32
      "tpu.region"() ({
        %run_scoped3A_66 = tpu.sem_alloc : memref<!tpu.dma_semaphore, #tpu.memory_space<semaphore_mem>>
        %dma_start3A_67 = arith.constant 0 : i32
        %dma_start3A_68 = tpu.memref_slice %arg10[%run_scoped3A_65, %dma_start3A_67] : memref<40x128xi32, #tpu.memory_space<vmem>> -> memref<1x128xi32, #tpu.memory_space<vmem>>
        %dma_start3A_69 = tpu.memref_squeeze %dma_start3A_68 : memref<1x128xi32, #tpu.memory_space<vmem>> -> memref<128xi32, #tpu.memory_space<vmem>>
        %dma_start3A_70 = arith.constant 0 : i32
        %dma_start3A_71 = arith.constant 0 : i32
        %dma_start3A_72 = tpu.memref_slice %arg8[%dma_start3A_70, %dma_start3A_71] : memref<10240x64xf32, #tpu.memory_space<vmem_shared>> -> memref<10240x64xf32, #tpu.memory_space<vmem_shared>>
        tpu.enqueue_indirect_dma source(%arg12 : memref<128x64xf32, #tpu.memory_space<vmem>>) target(%dma_start3A_72 : memref<10240x64xf32, #tpu.memory_space<vmem_shared>>) offsets(%dma_start3A_69 : memref<128xi32, #tpu.memory_space<vmem>>) semaphore(%run_scoped3A_66 : memref<!tpu.dma_semaphore, #tpu.memory_space<semaphore_mem>>) {add = true}
        %dma_wait3A_73 = arith.constant 0 : i32
        %dma_wait3A_74 = tpu.memref_slice %arg10[%run_scoped3A_65, %dma_wait3A_73] : memref<40x128xi32, #tpu.memory_space<vmem>> -> memref<1x128xi32, #tpu.memory_space<vmem>>
        %dma_wait3A_75 = tpu.memref_squeeze %dma_wait3A_74 : memref<1x128xi32, #tpu.memory_space<vmem>> -> memref<128xi32, #tpu.memory_space<vmem>>
        %dma_wait3A_76 = arith.constant 0 : i32
        %dma_wait3A_77 = arith.constant 0 : i32
        %dma_wait3A_78 = tpu.memref_slice %arg8[%dma_wait3A_76, %dma_wait3A_77] : memref<10240x64xf32, #tpu.memory_space<vmem_shared>> -> memref<10240x64xf32, #tpu.memory_space<vmem_shared>>
        tpu.wait_indirect_dma semaphore(%run_scoped3A_66 : memref<!tpu.dma_semaphore, #tpu.memory_space<semaphore_mem>>) src(%arg12 : memref<128x64xf32, #tpu.memory_space<vmem>>) dst(%dma_wait3A_78 : memref<10240x64xf32, #tpu.memory_space<vmem_shared>>)
        tpu.yield
      }) : () -> ()
    }
    %scan3A_21 = arith.constant 4 : i32
    %barrier3A_22 = arith.constant 0 : index
    tpu.barrier barrier_id(%barrier3A_22)
    %mul3A_23 = arith.constant 640 : i32
    %mul3A_24 = arith.muli %arg1, %mul3A_23 : i32
    %mul3A_25 = arith.constant 640 : i32
    %mul3A_26 = arith.muli %arg1, %mul3A_25 : i32
    "tpu.region"() ({
      %run_scoped3A = tpu.sem_alloc : memref<!tpu.dma_semaphore, #tpu.memory_space<semaphore_mem>>
      %dma_start3A_27 = arith.constant 0 : i32
      %dma_start3A_28 = tpu.memref_slice %arg6[%arg0, %mul3A_26, %dma_start3A_27] : memref<2x10240x64xf32, #tpu.memory_space<hbm>> -> memref<1x640x64xf32, #tpu.memory_space<hbm>>
      %dma_start3A_29 = tpu.memref_squeeze %dma_start3A_28 : memref<1x640x64xf32, #tpu.memory_space<hbm>> -> memref<640x64xf32, #tpu.memory_space<hbm>>
      %dma_start3A_30 = arith.constant 0 : i32
      %dma_start3A_31 = tpu.memref_slice %arg8[%mul3A_24, %dma_start3A_30] : memref<10240x64xf32, #tpu.memory_space<vmem_shared>> -> memref<640x64xf32, #tpu.memory_space<vmem_shared>>
      tpu.enqueue_dma source(%dma_start3A_31 : memref<640x64xf32, #tpu.memory_space<vmem_shared>>) target(%dma_start3A_29 : memref<640x64xf32, #tpu.memory_space<hbm>>) target_semaphore(%run_scoped3A : memref<!tpu.dma_semaphore, #tpu.memory_space<semaphore_mem>>)
      %dma_wait3A_32 = arith.constant 0 : i32
      %dma_wait3A_33 = tpu.memref_slice %arg6[%arg0, %mul3A_26, %dma_wait3A_32] : memref<2x10240x64xf32, #tpu.memory_space<hbm>> -> memref<1x640x64xf32, #tpu.memory_space<hbm>>
      %dma_wait3A_34 = tpu.memref_squeeze %dma_wait3A_33 : memref<1x640x64xf32, #tpu.memory_space<hbm>> -> memref<640x64xf32, #tpu.memory_space<hbm>>
      %dma_wait3A_35 = arith.constant 0 : i32
      %dma_wait3A_36 = tpu.memref_slice %arg8[%mul3A_24, %dma_wait3A_35] : memref<10240x64xf32, #tpu.memory_space<vmem_shared>> -> memref<640x64xf32, #tpu.memory_space<vmem_shared>>
      tpu.wait_dma2 semaphore(%run_scoped3A : memref<!tpu.dma_semaphore, #tpu.memory_space<semaphore_mem>>) src(%dma_wait3A_36 : memref<640x64xf32, #tpu.memory_space<vmem_shared>>) dst(%dma_wait3A_34 : memref<640x64xf32, #tpu.memory_space<hbm>>)
      tpu.yield
    }) : () -> ()
    return
  }
}

#map = affine_map<(d0, d1) -> (0, 0, 0)>
#map1 = affine_map<(d0, d1) -> (0, 0)>
module attributes {stable_mosaic.version = 14 : i64} {
  func.func @_sc_agg_body(%arg0: i32, %arg1: i32, %arg2: memref<2x10240x64xf32, #tpu.memory_space<hbm>>, %arg3: memref<16x160x128xi32, #tpu.memory_space<hbm>>, %arg4: memref<16x160x128xi32, #tpu.memory_space<hbm>>, %arg5: memref<640x64xf32, #tpu.memory_space<hbm>>, %arg6: memref<2x10240x64xf32, #tpu.memory_space<hbm>>, %arg7: memref<10240x64xf32, #tpu.memory_space<vmem_shared>>, %arg8: memref<10240x64xf32, #tpu.memory_space<vmem_shared>>, %arg9: memref<40x128xi32, #tpu.memory_space<vmem>>, %arg10: memref<40x128xi32, #tpu.memory_space<vmem>>, %arg11: memref<128x64xf32, #tpu.memory_space<vmem>>, %arg12: memref<128x64xf32, #tpu.memory_space<vmem>>, %arg13: memref<!tpu.dma_semaphore, #tpu.memory_space<semaphore_mem>>, %arg14: memref<!tpu.dma_semaphore, #tpu.memory_space<semaphore_mem>>) attributes {dimension_semantics = [#tpu.dimension_semantics<core_parallel>, #tpu.dimension_semantics<subcore_parallel>], iteration_bounds = array<i64: 2, 16>, scalar_prefetch = 0 : i64, scratch_operands = 8 : i64, tpu.core_type = #tpu.core_type<sc_vector_subcore>, window_params = [{transform_indices = #map}, {transform_indices = #map}, {transform_indices = #map}, {transform_indices = #map1}, {transform_indices = #map}]} {
    %mul3A = arith.constant 640 : i32
    %mul3A_0 = arith.muli %arg1, %mul3A : i32
    %mul3A_1 = arith.constant 640 : i32
    %mul3A_2 = arith.muli %arg1, %mul3A_1 : i32
    %dma_start3A = arith.constant 0 : i32
    %dma_start3A_3 = tpu.memref_slice %arg7[%mul3A_2, %dma_start3A] : memref<10240x64xf32, #tpu.memory_space<vmem_shared>> -> memref<640x64xf32, #tpu.memory_space<vmem_shared>>
    %dma_start3A_4 = arith.constant 0 : i32
    %dma_start3A_5 = tpu.memref_slice %arg2[%arg0, %mul3A_0, %dma_start3A_4] : memref<2x10240x64xf32, #tpu.memory_space<hbm>> -> memref<1x640x64xf32, #tpu.memory_space<hbm>>
    %dma_start3A_6 = tpu.memref_squeeze %dma_start3A_5 : memref<1x640x64xf32, #tpu.memory_space<hbm>> -> memref<640x64xf32, #tpu.memory_space<hbm>>
    tpu.enqueue_dma source(%dma_start3A_6 : memref<640x64xf32, #tpu.memory_space<hbm>>) target(%dma_start3A_3 : memref<640x64xf32, #tpu.memory_space<vmem_shared>>) target_semaphore(%arg13 : memref<!tpu.dma_semaphore, #tpu.memory_space<semaphore_mem>>)
    %mul3A_7 = arith.constant 640 : i32
    %mul3A_8 = arith.muli %arg1, %mul3A_7 : i32
    %dma_start3A_9 = arith.constant 0 : i32
    %dma_start3A_10 = tpu.memref_slice %arg8[%mul3A_8, %dma_start3A_9] : memref<10240x64xf32, #tpu.memory_space<vmem_shared>> -> memref<640x64xf32, #tpu.memory_space<vmem_shared>>
    tpu.enqueue_dma source(%arg5 : memref<640x64xf32, #tpu.memory_space<hbm>>) target(%dma_start3A_10 : memref<640x64xf32, #tpu.memory_space<vmem_shared>>) target_semaphore(%arg14 : memref<!tpu.dma_semaphore, #tpu.memory_space<semaphore_mem>>)
    %dma_wait3A = arith.constant 0 : i32
    %dma_wait3A_11 = tpu.memref_slice %arg7[%mul3A_2, %dma_wait3A] : memref<10240x64xf32, #tpu.memory_space<vmem_shared>> -> memref<640x64xf32, #tpu.memory_space<vmem_shared>>
    %dma_wait3A_12 = arith.constant 0 : i32
    %dma_wait3A_13 = tpu.memref_slice %arg2[%arg0, %mul3A_0, %dma_wait3A_12] : memref<2x10240x64xf32, #tpu.memory_space<hbm>> -> memref<1x640x64xf32, #tpu.memory_space<hbm>>
    %dma_wait3A_14 = tpu.memref_squeeze %dma_wait3A_13 : memref<1x640x64xf32, #tpu.memory_space<hbm>> -> memref<640x64xf32, #tpu.memory_space<hbm>>
    tpu.wait_dma2 semaphore(%arg13 : memref<!tpu.dma_semaphore, #tpu.memory_space<semaphore_mem>>) src(%dma_wait3A_14 : memref<640x64xf32, #tpu.memory_space<hbm>>) dst(%dma_wait3A_11 : memref<640x64xf32, #tpu.memory_space<vmem_shared>>)
    %dma_wait3A_15 = arith.constant 0 : i32
    %dma_wait3A_16 = tpu.memref_slice %arg8[%mul3A_8, %dma_wait3A_15] : memref<10240x64xf32, #tpu.memory_space<vmem_shared>> -> memref<640x64xf32, #tpu.memory_space<vmem_shared>>
    tpu.wait_dma2 semaphore(%arg14 : memref<!tpu.dma_semaphore, #tpu.memory_space<semaphore_mem>>) src(%arg5 : memref<640x64xf32, #tpu.memory_space<hbm>>) dst(%dma_wait3A_16 : memref<640x64xf32, #tpu.memory_space<vmem_shared>>)
    %barrier3A = arith.constant 0 : index
    tpu.barrier barrier_id(%barrier3A)
    %scan3A = arith.constant 0 : i32
    %scan3A_17 = arith.constant 0 : i32
    %scan3A_18 = arith.constant 4 : i32
    %scan3A_19 = arith.addi %scan3A_17, %scan3A_18 : i32
    %scan3A_20 = arith.constant 1 : i32
    scf.for %scan3A_27 = %scan3A_17 to %scan3A_19 step %scan3A_20  : i32 {
      %mul3A_28 = arith.constant 40 : i32
      %mul3A_29 = arith.muli %scan3A_27, %mul3A_28 : i32
      "tpu.region"() ({
        %run_scoped3A_66 = tpu.sem_alloc : memref<!tpu.dma_semaphore, #tpu.memory_space<semaphore_mem>>
        %dma_start3A_67 = arith.constant 0 : i32
        %dma_start3A_68 = tpu.memref_slice %arg3[%arg1, %mul3A_29, %dma_start3A_67] : memref<16x160x128xi32, #tpu.memory_space<hbm>> -> memref<1x40x128xi32, #tpu.memory_space<hbm>>
        %dma_start3A_69 = tpu.memref_squeeze %dma_start3A_68 : memref<1x40x128xi32, #tpu.memory_space<hbm>> -> memref<40x128xi32, #tpu.memory_space<hbm>>
        %dma_start3A_70 = arith.constant 0 : i32
        %dma_start3A_71 = tpu.memref_slice %arg3[%arg1, %mul3A_29, %dma_start3A_70] : memref<16x160x128xi32, #tpu.memory_space<hbm>> -> memref<1x40x128xi32, #tpu.memory_space<hbm>>
        %dma_start3A_72 = tpu.memref_squeeze %dma_start3A_71 : memref<1x40x128xi32, #tpu.memory_space<hbm>> -> memref<40x128xi32, #tpu.memory_space<hbm>>
        tpu.enqueue_dma source(%dma_start3A_72 : memref<40x128xi32, #tpu.memory_space<hbm>>) target(%arg9 : memref<40x128xi32, #tpu.memory_space<vmem>>) target_semaphore(%run_scoped3A_66 : memref<!tpu.dma_semaphore, #tpu.memory_space<semaphore_mem>>)
        %dma_wait3A_73 = arith.constant 0 : i32
        %dma_wait3A_74 = tpu.memref_slice %arg3[%arg1, %mul3A_29, %dma_wait3A_73] : memref<16x160x128xi32, #tpu.memory_space<hbm>> -> memref<1x40x128xi32, #tpu.memory_space<hbm>>
        %dma_wait3A_75 = tpu.memref_squeeze %dma_wait3A_74 : memref<1x40x128xi32, #tpu.memory_space<hbm>> -> memref<40x128xi32, #tpu.memory_space<hbm>>
        %dma_wait3A_76 = arith.constant 0 : i32
        %dma_wait3A_77 = tpu.memref_slice %arg3[%arg1, %mul3A_29, %dma_wait3A_76] : memref<16x160x128xi32, #tpu.memory_space<hbm>> -> memref<1x40x128xi32, #tpu.memory_space<hbm>>
        %dma_wait3A_78 = tpu.memref_squeeze %dma_wait3A_77 : memref<1x40x128xi32, #tpu.memory_space<hbm>> -> memref<40x128xi32, #tpu.memory_space<hbm>>
        tpu.wait_dma2 semaphore(%run_scoped3A_66 : memref<!tpu.dma_semaphore, #tpu.memory_space<semaphore_mem>>) src(%dma_wait3A_78 : memref<40x128xi32, #tpu.memory_space<hbm>>) dst(%arg9 : memref<40x128xi32, #tpu.memory_space<vmem>>)
        tpu.yield
      }) : () -> ()
      %mul3A_30 = arith.constant 40 : i32
      %mul3A_31 = arith.muli %scan3A_27, %mul3A_30 : i32
      "tpu.region"() ({
        %run_scoped3A_66 = tpu.sem_alloc : memref<!tpu.dma_semaphore, #tpu.memory_space<semaphore_mem>>
        %dma_start3A_67 = arith.constant 0 : i32
        %dma_start3A_68 = tpu.memref_slice %arg4[%arg1, %mul3A_31, %dma_start3A_67] : memref<16x160x128xi32, #tpu.memory_space<hbm>> -> memref<1x40x128xi32, #tpu.memory_space<hbm>>
        %dma_start3A_69 = tpu.memref_squeeze %dma_start3A_68 : memref<1x40x128xi32, #tpu.memory_space<hbm>> -> memref<40x128xi32, #tpu.memory_space<hbm>>
        %dma_start3A_70 = arith.constant 0 : i32
        %dma_start3A_71 = tpu.memref_slice %arg4[%arg1, %mul3A_31, %dma_start3A_70] : memref<16x160x128xi32, #tpu.memory_space<hbm>> -> memref<1x40x128xi32, #tpu.memory_space<hbm>>
        %dma_start3A_72 = tpu.memref_squeeze %dma_start3A_71 : memref<1x40x128xi32, #tpu.memory_space<hbm>> -> memref<40x128xi32, #tpu.memory_space<hbm>>
        tpu.enqueue_dma source(%dma_start3A_72 : memref<40x128xi32, #tpu.memory_space<hbm>>) target(%arg10 : memref<40x128xi32, #tpu.memory_space<vmem>>) target_semaphore(%run_scoped3A_66 : memref<!tpu.dma_semaphore, #tpu.memory_space<semaphore_mem>>)
        %dma_wait3A_73 = arith.constant 0 : i32
        %dma_wait3A_74 = tpu.memref_slice %arg4[%arg1, %mul3A_31, %dma_wait3A_73] : memref<16x160x128xi32, #tpu.memory_space<hbm>> -> memref<1x40x128xi32, #tpu.memory_space<hbm>>
        %dma_wait3A_75 = tpu.memref_squeeze %dma_wait3A_74 : memref<1x40x128xi32, #tpu.memory_space<hbm>> -> memref<40x128xi32, #tpu.memory_space<hbm>>
        %dma_wait3A_76 = arith.constant 0 : i32
        %dma_wait3A_77 = tpu.memref_slice %arg4[%arg1, %mul3A_31, %dma_wait3A_76] : memref<16x160x128xi32, #tpu.memory_space<hbm>> -> memref<1x40x128xi32, #tpu.memory_space<hbm>>
        %dma_wait3A_78 = tpu.memref_squeeze %dma_wait3A_77 : memref<1x40x128xi32, #tpu.memory_space<hbm>> -> memref<40x128xi32, #tpu.memory_space<hbm>>
        tpu.wait_dma2 semaphore(%run_scoped3A_66 : memref<!tpu.dma_semaphore, #tpu.memory_space<semaphore_mem>>) src(%dma_wait3A_78 : memref<40x128xi32, #tpu.memory_space<hbm>>) dst(%arg10 : memref<40x128xi32, #tpu.memory_space<vmem>>)
        tpu.yield
      }) : () -> ()
      %dma_start3A_32 = arith.constant 0 : i32
      %dma_start3A_33 = arith.constant 0 : i32
      %dma_start3A_34 = tpu.memref_slice %arg9[%dma_start3A_32, %dma_start3A_33] : memref<40x128xi32, #tpu.memory_space<vmem>> -> memref<1x128xi32, #tpu.memory_space<vmem>>
      %dma_start3A_35 = tpu.memref_squeeze %dma_start3A_34 : memref<1x128xi32, #tpu.memory_space<vmem>> -> memref<128xi32, #tpu.memory_space<vmem>>
      %dma_start3A_36 = arith.constant 0 : i32
      %dma_start3A_37 = arith.constant 0 : i32
      %dma_start3A_38 = tpu.memref_slice %arg7[%dma_start3A_36, %dma_start3A_37] : memref<10240x64xf32, #tpu.memory_space<vmem_shared>> -> memref<10240x64xf32, #tpu.memory_space<vmem_shared>>
      tpu.enqueue_indirect_dma source(%dma_start3A_38 : memref<10240x64xf32, #tpu.memory_space<vmem_shared>>) target(%arg11 : memref<128x64xf32, #tpu.memory_space<vmem>>) offsets(%dma_start3A_35 : memref<128xi32, #tpu.memory_space<vmem>>) semaphore(%arg13 : memref<!tpu.dma_semaphore, #tpu.memory_space<semaphore_mem>>)
      %dma_start3A_39 = arith.constant 1 : i32
      %dma_start3A_40 = arith.constant 0 : i32
      %dma_start3A_41 = tpu.memref_slice %arg9[%dma_start3A_39, %dma_start3A_40] : memref<40x128xi32, #tpu.memory_space<vmem>> -> memref<1x128xi32, #tpu.memory_space<vmem>>
      %dma_start3A_42 = tpu.memref_squeeze %dma_start3A_41 : memref<1x128xi32, #tpu.memory_space<vmem>> -> memref<128xi32, #tpu.memory_space<vmem>>
      %dma_start3A_43 = arith.constant 0 : i32
      %dma_start3A_44 = arith.constant 0 : i32
      %dma_start3A_45 = tpu.memref_slice %arg7[%dma_start3A_43, %dma_start3A_44] : memref<10240x64xf32, #tpu.memory_space<vmem_shared>> -> memref<10240x64xf32, #tpu.memory_space<vmem_shared>>
      tpu.enqueue_indirect_dma source(%dma_start3A_45 : memref<10240x64xf32, #tpu.memory_space<vmem_shared>>) target(%arg12 : memref<128x64xf32, #tpu.memory_space<vmem>>) offsets(%dma_start3A_42 : memref<128xi32, #tpu.memory_space<vmem>>) semaphore(%arg14 : memref<!tpu.dma_semaphore, #tpu.memory_space<semaphore_mem>>)
      %scan3A_46 = arith.constant 0 : i32
      %scan3A_47 = arith.constant 19 : i32
      %scan3A_48 = arith.addi %scan3A_46, %scan3A_47 : i32
      %scan3A_49 = arith.constant 1 : i32
      scf.for %scan3A_66 = %scan3A_46 to %scan3A_48 step %scan3A_49  : i32 {
        %mul3A_67 = arith.constant 2 : i32
        %mul3A_68 = arith.muli %scan3A_66, %mul3A_67 : i32
        %add3A = arith.constant 0 : i32
        %add3A_69 = arith.addi %mul3A_68, %add3A : i32
        %dma_wait3A_70 = arith.constant 0 : i32
        %dma_wait3A_71 = tpu.memref_slice %arg9[%add3A_69, %dma_wait3A_70] : memref<40x128xi32, #tpu.memory_space<vmem>> -> memref<1x128xi32, #tpu.memory_space<vmem>>
        %dma_wait3A_72 = tpu.memref_squeeze %dma_wait3A_71 : memref<1x128xi32, #tpu.memory_space<vmem>> -> memref<128xi32, #tpu.memory_space<vmem>>
        %dma_wait3A_73 = arith.constant 0 : i32
        %dma_wait3A_74 = arith.constant 0 : i32
        %dma_wait3A_75 = tpu.memref_slice %arg7[%dma_wait3A_73, %dma_wait3A_74] : memref<10240x64xf32, #tpu.memory_space<vmem_shared>> -> memref<10240x64xf32, #tpu.memory_space<vmem_shared>>
        tpu.wait_indirect_dma semaphore(%arg13 : memref<!tpu.dma_semaphore, #tpu.memory_space<semaphore_mem>>) src(%dma_wait3A_75 : memref<10240x64xf32, #tpu.memory_space<vmem_shared>>) dst(%arg11 : memref<128x64xf32, #tpu.memory_space<vmem>>)
        "tpu.region"() ({
          %run_scoped3A_102 = tpu.sem_alloc : memref<!tpu.dma_semaphore, #tpu.memory_space<semaphore_mem>>
          %dma_start3A_103 = arith.constant 0 : i32
          %dma_start3A_104 = tpu.memref_slice %arg10[%add3A_69, %dma_start3A_103] : memref<40x128xi32, #tpu.memory_space<vmem>> -> memref<1x128xi32, #tpu.memory_space<vmem>>
          %dma_start3A_105 = tpu.memref_squeeze %dma_start3A_104 : memref<1x128xi32, #tpu.memory_space<vmem>> -> memref<128xi32, #tpu.memory_space<vmem>>
          %dma_start3A_106 = arith.constant 0 : i32
          %dma_start3A_107 = arith.constant 0 : i32
          %dma_start3A_108 = tpu.memref_slice %arg8[%dma_start3A_106, %dma_start3A_107] : memref<10240x64xf32, #tpu.memory_space<vmem_shared>> -> memref<10240x64xf32, #tpu.memory_space<vmem_shared>>
          tpu.enqueue_indirect_dma source(%arg11 : memref<128x64xf32, #tpu.memory_space<vmem>>) target(%dma_start3A_108 : memref<10240x64xf32, #tpu.memory_space<vmem_shared>>) offsets(%dma_start3A_105 : memref<128xi32, #tpu.memory_space<vmem>>) semaphore(%run_scoped3A_102 : memref<!tpu.dma_semaphore, #tpu.memory_space<semaphore_mem>>) {add = true}
          %dma_wait3A_109 = arith.constant 0 : i32
          %dma_wait3A_110 = tpu.memref_slice %arg10[%add3A_69, %dma_wait3A_109] : memref<40x128xi32, #tpu.memory_space<vmem>> -> memref<1x128xi32, #tpu.memory_space<vmem>>
          %dma_wait3A_111 = tpu.memref_squeeze %dma_wait3A_110 : memref<1x128xi32, #tpu.memory_space<vmem>> -> memref<128xi32, #tpu.memory_space<vmem>>
          %dma_wait3A_112 = arith.constant 0 : i32
          %dma_wait3A_113 = arith.constant 0 : i32
          %dma_wait3A_114 = tpu.memref_slice %arg8[%dma_wait3A_112, %dma_wait3A_113] : memref<10240x64xf32, #tpu.memory_space<vmem_shared>> -> memref<10240x64xf32, #tpu.memory_space<vmem_shared>>
          tpu.wait_indirect_dma semaphore(%run_scoped3A_102 : memref<!tpu.dma_semaphore, #tpu.memory_space<semaphore_mem>>) src(%arg11 : memref<128x64xf32, #tpu.memory_space<vmem>>) dst(%dma_wait3A_114 : memref<10240x64xf32, #tpu.memory_space<vmem_shared>>)
          tpu.yield
        }) : () -> ()
        %add3A_76 = arith.constant 2 : i32
        %add3A_77 = arith.addi %add3A_69, %add3A_76 : i32
        %dma_start3A_78 = arith.constant 0 : i32
        %dma_start3A_79 = tpu.memref_slice %arg9[%add3A_77, %dma_start3A_78] : memref<40x128xi32, #tpu.memory_space<vmem>> -> memref<1x128xi32, #tpu.memory_space<vmem>>
        %dma_start3A_80 = tpu.memref_squeeze %dma_start3A_79 : memref<1x128xi32, #tpu.memory_space<vmem>> -> memref<128xi32, #tpu.memory_space<vmem>>
        %dma_start3A_81 = arith.constant 0 : i32
        %dma_start3A_82 = arith.constant 0 : i32
        %dma_start3A_83 = tpu.memref_slice %arg7[%dma_start3A_81, %dma_start3A_82] : memref<10240x64xf32, #tpu.memory_space<vmem_shared>> -> memref<10240x64xf32, #tpu.memory_space<vmem_shared>>
        tpu.enqueue_indirect_dma source(%dma_start3A_83 : memref<10240x64xf32, #tpu.memory_space<vmem_shared>>) target(%arg11 : memref<128x64xf32, #tpu.memory_space<vmem>>) offsets(%dma_start3A_80 : memref<128xi32, #tpu.memory_space<vmem>>) semaphore(%arg13 : memref<!tpu.dma_semaphore, #tpu.memory_space<semaphore_mem>>)
        %mul3A_84 = arith.constant 2 : i32
        %mul3A_85 = arith.muli %scan3A_66, %mul3A_84 : i32
        %add3A_86 = arith.constant 1 : i32
        %add3A_87 = arith.addi %mul3A_85, %add3A_86 : i32
        %dma_wait3A_88 = arith.constant 0 : i32
        %dma_wait3A_89 = tpu.memref_slice %arg9[%add3A_87, %dma_wait3A_88] : memref<40x128xi32, #tpu.memory_space<vmem>> -> memref<1x128xi32, #tpu.memory_space<vmem>>
        %dma_wait3A_90 = tpu.memref_squeeze %dma_wait3A_89 : memref<1x128xi32, #tpu.memory_space<vmem>> -> memref<128xi32, #tpu.memory_space<vmem>>
        %dma_wait3A_91 = arith.constant 0 : i32
        %dma_wait3A_92 = arith.constant 0 : i32
        %dma_wait3A_93 = tpu.memref_slice %arg7[%dma_wait3A_91, %dma_wait3A_92] : memref<10240x64xf32, #tpu.memory_space<vmem_shared>> -> memref<10240x64xf32, #tpu.memory_space<vmem_shared>>
        tpu.wait_indirect_dma semaphore(%arg14 : memref<!tpu.dma_semaphore, #tpu.memory_space<semaphore_mem>>) src(%dma_wait3A_93 : memref<10240x64xf32, #tpu.memory_space<vmem_shared>>) dst(%arg12 : memref<128x64xf32, #tpu.memory_space<vmem>>)
        "tpu.region"() ({
          %run_scoped3A_102 = tpu.sem_alloc : memref<!tpu.dma_semaphore, #tpu.memory_space<semaphore_mem>>
          %dma_start3A_103 = arith.constant 0 : i32
          %dma_start3A_104 = tpu.memref_slice %arg10[%add3A_87, %dma_start3A_103] : memref<40x128xi32, #tpu.memory_space<vmem>> -> memref<1x128xi32, #tpu.memory_space<vmem>>
          %dma_start3A_105 = tpu.memref_squeeze %dma_start3A_104 : memref<1x128xi32, #tpu.memory_space<vmem>> -> memref<128xi32, #tpu.memory_space<vmem>>
          %dma_start3A_106 = arith.constant 0 : i32
          %dma_start3A_107 = arith.constant 0 : i32
          %dma_start3A_108 = tpu.memref_slice %arg8[%dma_start3A_106, %dma_start3A_107] : memref<10240x64xf32, #tpu.memory_space<vmem_shared>> -> memref<10240x64xf32, #tpu.memory_space<vmem_shared>>
          tpu.enqueue_indirect_dma source(%arg12 : memref<128x64xf32, #tpu.memory_space<vmem>>) target(%dma_start3A_108 : memref<10240x64xf32, #tpu.memory_space<vmem_shared>>) offsets(%dma_start3A_105 : memref<128xi32, #tpu.memory_space<vmem>>) semaphore(%run_scoped3A_102 : memref<!tpu.dma_semaphore, #tpu.memory_space<semaphore_mem>>) {add = true}
          %dma_wait3A_109 = arith.constant 0 : i32
          %dma_wait3A_110 = tpu.memref_slice %arg10[%add3A_87, %dma_wait3A_109] : memref<40x128xi32, #tpu.memory_space<vmem>> -> memref<1x128xi32, #tpu.memory_space<vmem>>
          %dma_wait3A_111 = tpu.memref_squeeze %dma_wait3A_110 : memref<1x128xi32, #tpu.memory_space<vmem>> -> memref<128xi32, #tpu.memory_space<vmem>>
          %dma_wait3A_112 = arith.constant 0 : i32
          %dma_wait3A_113 = arith.constant 0 : i32
          %dma_wait3A_114 = tpu.memref_slice %arg8[%dma_wait3A_112, %dma_wait3A_113] : memref<10240x64xf32, #tpu.memory_space<vmem_shared>> -> memref<10240x64xf32, #tpu.memory_space<vmem_shared>>
          tpu.wait_indirect_dma semaphore(%run_scoped3A_102 : memref<!tpu.dma_semaphore, #tpu.memory_space<semaphore_mem>>) src(%arg12 : memref<128x64xf32, #tpu.memory_space<vmem>>) dst(%dma_wait3A_114 : memref<10240x64xf32, #tpu.memory_space<vmem_shared>>)
          tpu.yield
        }) : () -> ()
        %add3A_94 = arith.constant 2 : i32
        %add3A_95 = arith.addi %add3A_87, %add3A_94 : i32
        %dma_start3A_96 = arith.constant 0 : i32
        %dma_start3A_97 = tpu.memref_slice %arg9[%add3A_95, %dma_start3A_96] : memref<40x128xi32, #tpu.memory_space<vmem>> -> memref<1x128xi32, #tpu.memory_space<vmem>>
        %dma_start3A_98 = tpu.memref_squeeze %dma_start3A_97 : memref<1x128xi32, #tpu.memory_space<vmem>> -> memref<128xi32, #tpu.memory_space<vmem>>
        %dma_start3A_99 = arith.constant 0 : i32
        %dma_start3A_100 = arith.constant 0 : i32
        %dma_start3A_101 = tpu.memref_slice %arg7[%dma_start3A_99, %dma_start3A_100] : memref<10240x64xf32, #tpu.memory_space<vmem_shared>> -> memref<10240x64xf32, #tpu.memory_space<vmem_shared>>
        tpu.enqueue_indirect_dma source(%dma_start3A_101 : memref<10240x64xf32, #tpu.memory_space<vmem_shared>>) target(%arg12 : memref<128x64xf32, #tpu.memory_space<vmem>>) offsets(%dma_start3A_98 : memref<128xi32, #tpu.memory_space<vmem>>) semaphore(%arg14 : memref<!tpu.dma_semaphore, #tpu.memory_space<semaphore_mem>>)
      }
      %scan3A_50 = arith.constant 19 : i32
      %dma_wait3A_51 = arith.constant 38 : i32
      %dma_wait3A_52 = arith.constant 0 : i32
      %dma_wait3A_53 = tpu.memref_slice %arg9[%dma_wait3A_51, %dma_wait3A_52] : memref<40x128xi32, #tpu.memory_space<vmem>> -> memref<1x128xi32, #tpu.memory_space<vmem>>
      %dma_wait3A_54 = tpu.memref_squeeze %dma_wait3A_53 : memref<1x128xi32, #tpu.memory_space<vmem>> -> memref<128xi32, #tpu.memory_space<vmem>>
      %dma_wait3A_55 = arith.constant 0 : i32
      %dma_wait3A_56 = arith.constant 0 : i32
      %dma_wait3A_57 = tpu.memref_slice %arg7[%dma_wait3A_55, %dma_wait3A_56] : memref<10240x64xf32, #tpu.memory_space<vmem_shared>> -> memref<10240x64xf32, #tpu.memory_space<vmem_shared>>
      tpu.wait_indirect_dma semaphore(%arg13 : memref<!tpu.dma_semaphore, #tpu.memory_space<semaphore_mem>>) src(%dma_wait3A_57 : memref<10240x64xf32, #tpu.memory_space<vmem_shared>>) dst(%arg11 : memref<128x64xf32, #tpu.memory_space<vmem>>)
      %run_scoped3A = arith.constant 38 : i32
      "tpu.region"() ({
        %run_scoped3A_66 = tpu.sem_alloc : memref<!tpu.dma_semaphore, #tpu.memory_space<semaphore_mem>>
        %dma_start3A_67 = arith.constant 0 : i32
        %dma_start3A_68 = tpu.memref_slice %arg10[%run_scoped3A, %dma_start3A_67] : memref<40x128xi32, #tpu.memory_space<vmem>> -> memref<1x128xi32, #tpu.memory_space<vmem>>
        %dma_start3A_69 = tpu.memref_squeeze %dma_start3A_68 : memref<1x128xi32, #tpu.memory_space<vmem>> -> memref<128xi32, #tpu.memory_space<vmem>>
        %dma_start3A_70 = arith.constant 0 : i32
        %dma_start3A_71 = arith.constant 0 : i32
        %dma_start3A_72 = tpu.memref_slice %arg8[%dma_start3A_70, %dma_start3A_71] : memref<10240x64xf32, #tpu.memory_space<vmem_shared>> -> memref<10240x64xf32, #tpu.memory_space<vmem_shared>>
        tpu.enqueue_indirect_dma source(%arg11 : memref<128x64xf32, #tpu.memory_space<vmem>>) target(%dma_start3A_72 : memref<10240x64xf32, #tpu.memory_space<vmem_shared>>) offsets(%dma_start3A_69 : memref<128xi32, #tpu.memory_space<vmem>>) semaphore(%run_scoped3A_66 : memref<!tpu.dma_semaphore, #tpu.memory_space<semaphore_mem>>) {add = true}
        %dma_wait3A_73 = arith.constant 0 : i32
        %dma_wait3A_74 = tpu.memref_slice %arg10[%run_scoped3A, %dma_wait3A_73] : memref<40x128xi32, #tpu.memory_space<vmem>> -> memref<1x128xi32, #tpu.memory_space<vmem>>
        %dma_wait3A_75 = tpu.memref_squeeze %dma_wait3A_74 : memref<1x128xi32, #tpu.memory_space<vmem>> -> memref<128xi32, #tpu.memory_space<vmem>>
        %dma_wait3A_76 = arith.constant 0 : i32
        %dma_wait3A_77 = arith.constant 0 : i32
        %dma_wait3A_78 = tpu.memref_slice %arg8[%dma_wait3A_76, %dma_wait3A_77] : memref<10240x64xf32, #tpu.memory_space<vmem_shared>> -> memref<10240x64xf32, #tpu.memory_space<vmem_shared>>
        tpu.wait_indirect_dma semaphore(%run_scoped3A_66 : memref<!tpu.dma_semaphore, #tpu.memory_space<semaphore_mem>>) src(%arg11 : memref<128x64xf32, #tpu.memory_space<vmem>>) dst(%dma_wait3A_78 : memref<10240x64xf32, #tpu.memory_space<vmem_shared>>)
        tpu.yield
      }) : () -> ()
      %dma_wait3A_58 = arith.constant 39 : i32
      %dma_wait3A_59 = arith.constant 0 : i32
      %dma_wait3A_60 = tpu.memref_slice %arg9[%dma_wait3A_58, %dma_wait3A_59] : memref<40x128xi32, #tpu.memory_space<vmem>> -> memref<1x128xi32, #tpu.memory_space<vmem>>
      %dma_wait3A_61 = tpu.memref_squeeze %dma_wait3A_60 : memref<1x128xi32, #tpu.memory_space<vmem>> -> memref<128xi32, #tpu.memory_space<vmem>>
      %dma_wait3A_62 = arith.constant 0 : i32
      %dma_wait3A_63 = arith.constant 0 : i32
      %dma_wait3A_64 = tpu.memref_slice %arg7[%dma_wait3A_62, %dma_wait3A_63] : memref<10240x64xf32, #tpu.memory_space<vmem_shared>> -> memref<10240x64xf32, #tpu.memory_space<vmem_shared>>
      tpu.wait_indirect_dma semaphore(%arg14 : memref<!tpu.dma_semaphore, #tpu.memory_space<semaphore_mem>>) src(%dma_wait3A_64 : memref<10240x64xf32, #tpu.memory_space<vmem_shared>>) dst(%arg12 : memref<128x64xf32, #tpu.memory_space<vmem>>)
      %run_scoped3A_65 = arith.constant 39 : i32
      "tpu.region"() ({
        %run_scoped3A_66 = tpu.sem_alloc : memref<!tpu.dma_semaphore, #tpu.memory_space<semaphore_mem>>
        %dma_start3A_67 = arith.constant 0 : i32
        %dma_start3A_68 = tpu.memref_slice %arg10[%run_scoped3A_65, %dma_start3A_67] : memref<40x128xi32, #tpu.memory_space<vmem>> -> memref<1x128xi32, #tpu.memory_space<vmem>>
        %dma_start3A_69 = tpu.memref_squeeze %dma_start3A_68 : memref<1x128xi32, #tpu.memory_space<vmem>> -> memref<128xi32, #tpu.memory_space<vmem>>
        %dma_start3A_70 = arith.constant 0 : i32
        %dma_start3A_71 = arith.constant 0 : i32
        %dma_start3A_72 = tpu.memref_slice %arg8[%dma_start3A_70, %dma_start3A_71] : memref<10240x64xf32, #tpu.memory_space<vmem_shared>> -> memref<10240x64xf32, #tpu.memory_space<vmem_shared>>
        tpu.enqueue_indirect_dma source(%arg12 : memref<128x64xf32, #tpu.memory_space<vmem>>) target(%dma_start3A_72 : memref<10240x64xf32, #tpu.memory_space<vmem_shared>>) offsets(%dma_start3A_69 : memref<128xi32, #tpu.memory_space<vmem>>) semaphore(%run_scoped3A_66 : memref<!tpu.dma_semaphore, #tpu.memory_space<semaphore_mem>>) {add = true}
        %dma_wait3A_73 = arith.constant 0 : i32
        %dma_wait3A_74 = tpu.memref_slice %arg10[%run_scoped3A_65, %dma_wait3A_73] : memref<40x128xi32, #tpu.memory_space<vmem>> -> memref<1x128xi32, #tpu.memory_space<vmem>>
        %dma_wait3A_75 = tpu.memref_squeeze %dma_wait3A_74 : memref<1x128xi32, #tpu.memory_space<vmem>> -> memref<128xi32, #tpu.memory_space<vmem>>
        %dma_wait3A_76 = arith.constant 0 : i32
        %dma_wait3A_77 = arith.constant 0 : i32
        %dma_wait3A_78 = tpu.memref_slice %arg8[%dma_wait3A_76, %dma_wait3A_77] : memref<10240x64xf32, #tpu.memory_space<vmem_shared>> -> memref<10240x64xf32, #tpu.memory_space<vmem_shared>>
        tpu.wait_indirect_dma semaphore(%run_scoped3A_66 : memref<!tpu.dma_semaphore, #tpu.memory_space<semaphore_mem>>) src(%arg12 : memref<128x64xf32, #tpu.memory_space<vmem>>) dst(%dma_wait3A_78 : memref<10240x64xf32, #tpu.memory_space<vmem_shared>>)
        tpu.yield
      }) : () -> ()
    }
    %scan3A_21 = arith.constant 4 : i32
    %barrier3A_22 = arith.constant 0 : index
    tpu.barrier barrier_id(%barrier3A_22)
    %mul3A_23 = arith.constant 640 : i32
    %mul3A_24 = arith.muli %arg1, %mul3A_23 : i32
    %mul3A_25 = arith.constant 640 : i32
    %mul3A_26 = arith.muli %arg1, %mul3A_25 : i32
    "tpu.region"() ({
      %run_scoped3A = tpu.sem_alloc : memref<!tpu.dma_semaphore, #tpu.memory_space<semaphore_mem>>
      %dma_start3A_27 = arith.constant 0 : i32
      %dma_start3A_28 = tpu.memref_slice %arg6[%arg0, %mul3A_26, %dma_start3A_27] : memref<2x10240x64xf32, #tpu.memory_space<hbm>> -> memref<1x640x64xf32, #tpu.memory_space<hbm>>
      %dma_start3A_29 = tpu.memref_squeeze %dma_start3A_28 : memref<1x640x64xf32, #tpu.memory_space<hbm>> -> memref<640x64xf32, #tpu.memory_space<hbm>>
      %dma_start3A_30 = arith.constant 0 : i32
      %dma_start3A_31 = tpu.memref_slice %arg8[%mul3A_24, %dma_start3A_30] : memref<10240x64xf32, #tpu.memory_space<vmem_shared>> -> memref<640x64xf32, #tpu.memory_space<vmem_shared>>
      tpu.enqueue_dma source(%dma_start3A_31 : memref<640x64xf32, #tpu.memory_space<vmem_shared>>) target(%dma_start3A_29 : memref<640x64xf32, #tpu.memory_space<hbm>>) target_semaphore(%run_scoped3A : memref<!tpu.dma_semaphore, #tpu.memory_space<semaphore_mem>>)
      %dma_wait3A_32 = arith.constant 0 : i32
      %dma_wait3A_33 = tpu.memref_slice %arg6[%arg0, %mul3A_26, %dma_wait3A_32] : memref<2x10240x64xf32, #tpu.memory_space<hbm>> -> memref<1x640x64xf32, #tpu.memory_space<hbm>>
      %dma_wait3A_34 = tpu.memref_squeeze %dma_wait3A_33 : memref<1x640x64xf32, #tpu.memory_space<hbm>> -> memref<640x64xf32, #tpu.memory_space<hbm>>
      %dma_wait3A_35 = arith.constant 0 : i32
      %dma_wait3A_36 = tpu.memref_slice %arg8[%mul3A_24, %dma_wait3A_35] : memref<10240x64xf32, #tpu.memory_space<vmem_shared>> -> memref<640x64xf32, #tpu.memory_space<vmem_shared>>
      tpu.wait_dma2 semaphore(%run_scoped3A : memref<!tpu.dma_semaphore, #tpu.memory_space<semaphore_mem>>) src(%dma_wait3A_36 : memref<640x64xf32, #tpu.memory_space<vmem_shared>>) dst(%dma_wait3A_34 : memref<640x64xf32, #tpu.memory_space<hbm>>)
      tpu.yield
    }) : () -> ()
    return
  }
}

module attributes {stable_mosaic.version = 14 : i64} {
  func.func @_layer_body(%arg0: memref<2x10240x64xf32, #tpu.memory_space<vmem>>, %arg1: memref<2x10240x64xf32, #tpu.memory_space<vmem>>, %arg2: memref<1x1xf32, #tpu.memory_space<vmem>>, %arg3: memref<128x128xf32, #tpu.memory_space<vmem>>, %arg4: memref<1x128xf32, #tpu.memory_space<vmem>>, %arg5: memref<128x128xf32, #tpu.memory_space<vmem>>, %arg6: memref<1x128xf32, #tpu.memory_space<vmem>>, %arg7: memref<1x128xf32, #tpu.memory_space<vmem>>, %arg8: memref<1x128xf32, #tpu.memory_space<vmem>>, %arg9: memref<2x10240x64xf32, #tpu.memory_space<vmem>>) attributes {dimension_semantics = [], scalar_prefetch = 0 : i64, scratch_operands = 0 : i64, tpu.core_type = #tpu.core_type<tc>} {
    %get3A = arith.constant 0 : index
    %get3A_0 = arith.constant 0 : index
    %get3A_1 = arith.constant 0 : index
    %get3A_2 = vector.load %arg0[%get3A, %get3A_0, %get3A_1] : memref<2x10240x64xf32, #tpu.memory_space<vmem>>, vector<1x10000x64xf32>
    %get3A_3 = vector.shape_cast %get3A_2 : vector<1x10000x64xf32> to vector<10000x64xf32>
    %get3A_4 = arith.constant 1 : index
    %get3A_5 = arith.constant 0 : index
    %get3A_6 = arith.constant 0 : index
    %get3A_7 = vector.load %arg0[%get3A_4, %get3A_5, %get3A_6] : memref<2x10240x64xf32, #tpu.memory_space<vmem>>, vector<1x10000x64xf32>
    %get3A_8 = vector.shape_cast %get3A_7 : vector<1x10000x64xf32> to vector<10000x64xf32>
    %concatenate3A = tpu.concatenate %get3A_3, %get3A_8 in 1 : vector<10000x64xf32>, vector<10000x64xf32> -> vector<10000x128xf32>
    %get3A_9 = arith.constant 0 : index
    %get3A_10 = arith.constant 0 : index
    %get3A_11 = arith.constant 0 : index
    %get3A_12 = vector.load %arg1[%get3A_9, %get3A_10, %get3A_11] : memref<2x10240x64xf32, #tpu.memory_space<vmem>>, vector<1x10000x64xf32>
    %get3A_13 = vector.shape_cast %get3A_12 : vector<1x10000x64xf32> to vector<10000x64xf32>
    %get3A_14 = arith.constant 1 : index
    %get3A_15 = arith.constant 0 : index
    %get3A_16 = arith.constant 0 : index
    %get3A_17 = vector.load %arg1[%get3A_14, %get3A_15, %get3A_16] : memref<2x10240x64xf32, #tpu.memory_space<vmem>>, vector<1x10000x64xf32>
    %get3A_18 = vector.shape_cast %get3A_17 : vector<1x10000x64xf32> to vector<10000x64xf32>
    %concatenate3A_19 = tpu.concatenate %get3A_13, %get3A_18 in 1 : vector<10000x64xf32>, vector<10000x64xf32> -> vector<10000x128xf32>
    %get3A_20 = arith.constant 0 : index
    %get3A_21 = arith.constant 0 : index
    %get3A_22 = vector.load %arg2[%get3A_20, %get3A_21] : memref<1x1xf32, #tpu.memory_space<vmem>>, vector<1x1xf32>
    %mul3A = vector.broadcast %get3A_22 : vector<1x1xf32> to vector<10000x128xf32>
    %mul3A_23 = arith.mulf %mul3A, %concatenate3A : vector<10000x128xf32>
    %add3A = arith.addf %mul3A_23, %concatenate3A_19 : vector<10000x128xf32>
    %get3A_24 = arith.constant 0 : index
    %get3A_25 = arith.constant 0 : index
    %get3A_26 = vector.load %arg3[%get3A_24, %get3A_25] : memref<128x128xf32, #tpu.memory_space<vmem>>, vector<128x128xf32>
    %dot_general3A = arith.constant dense<0.000000e+00> : vector<10000x128xf32>
    %dot_general3A_27 = tpu.matmul %add3A, %get3A_26, %dot_general3A {dimension_numbers = #tpu.dot_dimension_numbers<[1], [0], [0], [1], [0, 0, 1, 1], [], []>, transpose_lhs_hint = false} : vector<10000x128xf32>, vector<128x128xf32>, vector<10000x128xf32> -> vector<10000x128xf32>
    %get3A_28 = arith.constant 0 : index
    %get3A_29 = arith.constant 0 : index
    %get3A_30 = vector.load %arg4[%get3A_28, %get3A_29] : memref<1x128xf32, #tpu.memory_space<vmem>>, vector<1x128xf32>
    %add3A_31 = vector.broadcast %get3A_30 : vector<1x128xf32> to vector<10000x128xf32>
    %add3A_32 = arith.addf %dot_general3A_27, %add3A_31 : vector<10000x128xf32>
    %max3A = arith.constant 0.000000e+00 : f32
    %max3A_33 = vector.broadcast %max3A : f32 to vector<10000x128xf32>
    %max3A_34 = arith.maximumf %add3A_32, %max3A_33 : vector<10000x128xf32>
    %get3A_35 = arith.constant 0 : index
    %get3A_36 = arith.constant 0 : index
    %get3A_37 = vector.load %arg5[%get3A_35, %get3A_36] : memref<128x128xf32, #tpu.memory_space<vmem>>, vector<128x128xf32>
    %dot_general3A_38 = arith.constant dense<0.000000e+00> : vector<10000x128xf32>
    %dot_general3A_39 = tpu.matmul %max3A_34, %get3A_37, %dot_general3A_38 {dimension_numbers = #tpu.dot_dimension_numbers<[1], [0], [0], [1], [0, 0, 1, 1], [], []>, transpose_lhs_hint = false} : vector<10000x128xf32>, vector<128x128xf32>, vector<10000x128xf32> -> vector<10000x128xf32>
    %get3A_40 = arith.constant 0 : index
    %get3A_41 = arith.constant 0 : index
    %get3A_42 = vector.load %arg6[%get3A_40, %get3A_41] : memref<1x128xf32, #tpu.memory_space<vmem>>, vector<1x128xf32>
    %add3A_43 = vector.broadcast %get3A_42 : vector<1x128xf32> to vector<10000x128xf32>
    %add3A_44 = arith.addf %dot_general3A_39, %add3A_43 : vector<10000x128xf32>
    %max3A_45 = arith.constant 0.000000e+00 : f32
    %max3A_46 = vector.broadcast %max3A_45 : f32 to vector<10000x128xf32>
    %max3A_47 = arith.maximumf %add3A_44, %max3A_46 : vector<10000x128xf32>
    %reduce_sum3A = arith.constant dense<0.000000e+00> : vector<128xf32>
    %reduce_sum3A_48 = vector.multi_reduction <add>, %max3A_47, %reduce_sum3A [0] : vector<10000x128xf32> to vector<128xf32>
    %div3A = arith.constant 1.000000e+04 : f32
    %div3A_49 = vector.broadcast %div3A : f32 to vector<128xf32>
    %div3A_50 = arith.divf %reduce_sum3A_48, %div3A_49 : vector<128xf32>
    %broadcast_in_dim3A = vector.shape_cast %div3A_50 : vector<128xf32> to vector<1x128xf32>
    %sub3A = vector.broadcast %broadcast_in_dim3A : vector<1x128xf32> to vector<10000x128xf32>
    %sub3A_51 = arith.subf %max3A_47, %sub3A : vector<10000x128xf32>
    %mul3A_52 = arith.mulf %sub3A_51, %sub3A_51 : vector<10000x128xf32>
    %reduce_sum3A_53 = arith.constant dense<0.000000e+00> : vector<128xf32>
    %reduce_sum3A_54 = vector.multi_reduction <add>, %mul3A_52, %reduce_sum3A_53 [0] : vector<10000x128xf32> to vector<128xf32>
    %div3A_55 = arith.constant 1.000000e+04 : f32
    %div3A_56 = vector.broadcast %div3A_55 : f32 to vector<128xf32>
    %div3A_57 = arith.divf %reduce_sum3A_54, %div3A_56 : vector<128xf32>
    %get3A_58 = arith.constant 0 : index
    %get3A_59 = arith.constant 0 : index
    %get3A_60 = vector.load %arg7[%get3A_58, %get3A_59] : memref<1x128xf32, #tpu.memory_space<vmem>>, vector<1x128xf32>
    %mul3A_61 = vector.broadcast %get3A_60 : vector<1x128xf32> to vector<10000x128xf32>
    %mul3A_62 = arith.mulf %mul3A_61, %sub3A_51 : vector<10000x128xf32>
    %add3A_63 = arith.constant 9.99999974E-6 : f32
    %add3A_64 = vector.broadcast %add3A_63 : f32 to vector<128xf32>
    %add3A_65 = arith.addf %div3A_57, %add3A_64 : vector<128xf32>
    %rsqrt3A = math.rsqrt %add3A_65 : vector<128xf32>
    %broadcast_in_dim3A_66 = vector.shape_cast %rsqrt3A : vector<128xf32> to vector<1x128xf32>
    %mul3A_67 = vector.broadcast %broadcast_in_dim3A_66 : vector<1x128xf32> to vector<10000x128xf32>
    %mul3A_68 = arith.mulf %mul3A_62, %mul3A_67 : vector<10000x128xf32>
    %get3A_69 = arith.constant 0 : index
    %get3A_70 = arith.constant 0 : index
    %get3A_71 = vector.load %arg8[%get3A_69, %get3A_70] : memref<1x128xf32, #tpu.memory_space<vmem>>, vector<1x128xf32>
    %add3A_72 = vector.broadcast %get3A_71 : vector<1x128xf32> to vector<10000x128xf32>
    %add3A_73 = arith.addf %mul3A_68, %add3A_72 : vector<10000x128xf32>
    %slice3A = vector.extract_strided_slice %add3A_73 {offsets = [0, 0], sizes = [10000, 64], strides = [1, 1]} : vector<10000x128xf32> to vector<10000x64xf32>
    %swap3A = arith.constant 0 : index
    %swap3A_74 = arith.constant 0 : index
    %swap3A_75 = arith.constant 0 : index
    %swap3A_76 = vector.load %arg9[%swap3A, %swap3A_74, %swap3A_75] : memref<2x10240x64xf32, #tpu.memory_space<vmem>>, vector<1x10000x64xf32>
    %swap3A_77 = vector.shape_cast %swap3A_76 : vector<1x10000x64xf32> to vector<10000x64xf32>
    %swap3A_78 = vector.shape_cast %slice3A : vector<10000x64xf32> to vector<1x10000x64xf32>
    tpu.vector_store %arg9[%swap3A, %swap3A_74, %swap3A_75], %swap3A_78 {strides = array<i32>} : memref<2x10240x64xf32, #tpu.memory_space<vmem>>, vector<1x10000x64xf32>,
    %slice3A_79 = vector.extract_strided_slice %add3A_73 {offsets = [0, 64], sizes = [10000, 64], strides = [1, 1]} : vector<10000x128xf32> to vector<10000x64xf32>
    %swap3A_80 = arith.constant 1 : index
    %swap3A_81 = arith.constant 0 : index
    %swap3A_82 = arith.constant 0 : index
    %swap3A_83 = vector.load %arg9[%swap3A_80, %swap3A_81, %swap3A_82] : memref<2x10240x64xf32, #tpu.memory_space<vmem>>, vector<1x10000x64xf32>
    %swap3A_84 = vector.shape_cast %swap3A_83 : vector<1x10000x64xf32> to vector<10000x64xf32>
    %swap3A_85 = vector.shape_cast %slice3A_79 : vector<10000x64xf32> to vector<1x10000x64xf32>
    tpu.vector_store %arg9[%swap3A_80, %swap3A_81, %swap3A_82], %swap3A_85 {strides = array<i32>} : memref<2x10240x64xf32, #tpu.memory_space<vmem>>, vector<1x10000x64xf32>,
    return
  }
}

module attributes {stable_mosaic.version = 14 : i64} {
  func.func @_layer3_head_body(%arg0: memref<2x10240x64xf32, #tpu.memory_space<vmem>>, %arg1: memref<2x10240x64xf32, #tpu.memory_space<vmem>>, %arg2: memref<1x1xf32, #tpu.memory_space<vmem>>, %arg3: memref<128x128xf32, #tpu.memory_space<vmem>>, %arg4: memref<1x128xf32, #tpu.memory_space<vmem>>, %arg5: memref<128x128xf32, #tpu.memory_space<vmem>>, %arg6: memref<1x128xf32, #tpu.memory_space<vmem>>, %arg7: memref<1x128xf32, #tpu.memory_space<vmem>>, %arg8: memref<1x128xf32, #tpu.memory_space<vmem>>, %arg9: memref<10000xi32, #tpu.memory_space<vmem>>, %arg10: memref<128x128xf32, #tpu.memory_space<vmem>>, %arg11: memref<1x128xf32, #tpu.memory_space<vmem>>, %arg12: memref<128x10xf32, #tpu.memory_space<vmem>>, %arg13: memref<1x10xf32, #tpu.memory_space<vmem>>, %arg14: memref<128x10xf32, #tpu.memory_space<vmem>>) attributes {dimension_semantics = [], scalar_prefetch = 0 : i64, scratch_operands = 0 : i64, tpu.core_type = #tpu.core_type<tc>} {
    %get3A = arith.constant 0 : index
    %get3A_0 = arith.constant 0 : index
    %get3A_1 = arith.constant 0 : index
    %get3A_2 = vector.load %arg0[%get3A, %get3A_0, %get3A_1] : memref<2x10240x64xf32, #tpu.memory_space<vmem>>, vector<1x10000x64xf32>
    %get3A_3 = vector.shape_cast %get3A_2 : vector<1x10000x64xf32> to vector<10000x64xf32>
    %get3A_4 = arith.constant 1 : index
    %get3A_5 = arith.constant 0 : index
    %get3A_6 = arith.constant 0 : index
    %get3A_7 = vector.load %arg0[%get3A_4, %get3A_5, %get3A_6] : memref<2x10240x64xf32, #tpu.memory_space<vmem>>, vector<1x10000x64xf32>
    %get3A_8 = vector.shape_cast %get3A_7 : vector<1x10000x64xf32> to vector<10000x64xf32>
    %concatenate3A = tpu.concatenate %get3A_3, %get3A_8 in 1 : vector<10000x64xf32>, vector<10000x64xf32> -> vector<10000x128xf32>
    %get3A_9 = arith.constant 0 : index
    %get3A_10 = arith.constant 0 : index
    %get3A_11 = arith.constant 0 : index
    %get3A_12 = vector.load %arg1[%get3A_9, %get3A_10, %get3A_11] : memref<2x10240x64xf32, #tpu.memory_space<vmem>>, vector<1x10000x64xf32>
    %get3A_13 = vector.shape_cast %get3A_12 : vector<1x10000x64xf32> to vector<10000x64xf32>
    %get3A_14 = arith.constant 1 : index
    %get3A_15 = arith.constant 0 : index
    %get3A_16 = arith.constant 0 : index
    %get3A_17 = vector.load %arg1[%get3A_14, %get3A_15, %get3A_16] : memref<2x10240x64xf32, #tpu.memory_space<vmem>>, vector<1x10000x64xf32>
    %get3A_18 = vector.shape_cast %get3A_17 : vector<1x10000x64xf32> to vector<10000x64xf32>
    %concatenate3A_19 = tpu.concatenate %get3A_13, %get3A_18 in 1 : vector<10000x64xf32>, vector<10000x64xf32> -> vector<10000x128xf32>
    %get3A_20 = arith.constant 0 : index
    %get3A_21 = arith.constant 0 : index
    %get3A_22 = vector.load %arg2[%get3A_20, %get3A_21] : memref<1x1xf32, #tpu.memory_space<vmem>>, vector<1x1xf32>
    %mul3A = vector.broadcast %get3A_22 : vector<1x1xf32> to vector<10000x128xf32>
    %mul3A_23 = arith.mulf %mul3A, %concatenate3A : vector<10000x128xf32>
    %add3A = arith.addf %mul3A_23, %concatenate3A_19 : vector<10000x128xf32>
    %get3A_24 = arith.constant 0 : index
    %get3A_25 = arith.constant 0 : index
    %get3A_26 = vector.load %arg3[%get3A_24, %get3A_25] : memref<128x128xf32, #tpu.memory_space<vmem>>, vector<128x128xf32>
    %dot_general3A = arith.constant dense<0.000000e+00> : vector<10000x128xf32>
    %dot_general3A_27 = tpu.matmul %add3A, %get3A_26, %dot_general3A {dimension_numbers = #tpu.dot_dimension_numbers<[1], [0], [0], [1], [0, 0, 1, 1], [], []>, transpose_lhs_hint = false} : vector<10000x128xf32>, vector<128x128xf32>, vector<10000x128xf32> -> vector<10000x128xf32>
    %get3A_28 = arith.constant 0 : index
    %get3A_29 = arith.constant 0 : index
    %get3A_30 = vector.load %arg4[%get3A_28, %get3A_29] : memref<1x128xf32, #tpu.memory_space<vmem>>, vector<1x128xf32>
    %add3A_31 = vector.broadcast %get3A_30 : vector<1x128xf32> to vector<10000x128xf32>
    %add3A_32 = arith.addf %dot_general3A_27, %add3A_31 : vector<10000x128xf32>
    %max3A = arith.constant 0.000000e+00 : f32
    %max3A_33 = vector.broadcast %max3A : f32 to vector<10000x128xf32>
    %max3A_34 = arith.maximumf %add3A_32, %max3A_33 : vector<10000x128xf32>
    %get3A_35 = arith.constant 0 : index
    %get3A_36 = arith.constant 0 : index
    %get3A_37 = vector.load %arg5[%get3A_35, %get3A_36] : memref<128x128xf32, #tpu.memory_space<vmem>>, vector<128x128xf32>
    %dot_general3A_38 = arith.constant dense<0.000000e+00> : vector<10000x128xf32>
    %dot_general3A_39 = tpu.matmul %max3A_34, %get3A_37, %dot_general3A_38 {dimension_numbers = #tpu.dot_dimension_numbers<[1], [0], [0], [1], [0, 0, 1, 1], [], []>, transpose_lhs_hint = false} : vector<10000x128xf32>, vector<128x128xf32>, vector<10000x128xf32> -> vector<10000x128xf32>
    %get3A_40 = arith.constant 0 : index
    %get3A_41 = arith.constant 0 : index
    %get3A_42 = vector.load %arg6[%get3A_40, %get3A_41] : memref<1x128xf32, #tpu.memory_space<vmem>>, vector<1x128xf32>
    %add3A_43 = vector.broadcast %get3A_42 : vector<1x128xf32> to vector<10000x128xf32>
    %add3A_44 = arith.addf %dot_general3A_39, %add3A_43 : vector<10000x128xf32>
    %max3A_45 = arith.constant 0.000000e+00 : f32
    %max3A_46 = vector.broadcast %max3A_45 : f32 to vector<10000x128xf32>
    %max3A_47 = arith.maximumf %add3A_44, %max3A_46 : vector<10000x128xf32>
    %reduce_sum3A = arith.constant dense<0.000000e+00> : vector<128xf32>
    %reduce_sum3A_48 = vector.multi_reduction <add>, %max3A_47, %reduce_sum3A [0] : vector<10000x128xf32> to vector<128xf32>
    %div3A = arith.constant 1.000000e+04 : f32
    %div3A_49 = vector.broadcast %div3A : f32 to vector<128xf32>
    %div3A_50 = arith.divf %reduce_sum3A_48, %div3A_49 : vector<128xf32>
    %broadcast_in_dim3A = vector.shape_cast %div3A_50 : vector<128xf32> to vector<1x128xf32>
    %sub3A = vector.broadcast %broadcast_in_dim3A : vector<1x128xf32> to vector<10000x128xf32>
    %sub3A_51 = arith.subf %max3A_47, %sub3A : vector<10000x128xf32>
    %mul3A_52 = arith.mulf %sub3A_51, %sub3A_51 : vector<10000x128xf32>
    %reduce_sum3A_53 = arith.constant dense<0.000000e+00> : vector<128xf32>
    %reduce_sum3A_54 = vector.multi_reduction <add>, %mul3A_52, %reduce_sum3A_53 [0] : vector<10000x128xf32> to vector<128xf32>
    %div3A_55 = arith.constant 1.000000e+04 : f32
    %div3A_56 = vector.broadcast %div3A_55 : f32 to vector<128xf32>
    %div3A_57 = arith.divf %reduce_sum3A_54, %div3A_56 : vector<128xf32>
    %get3A_58 = arith.constant 0 : index
    %get3A_59 = arith.constant 0 : index
    %get3A_60 = vector.load %arg7[%get3A_58, %get3A_59] : memref<1x128xf32, #tpu.memory_space<vmem>>, vector<1x128xf32>
    %mul3A_61 = vector.broadcast %get3A_60 : vector<1x128xf32> to vector<10000x128xf32>
    %mul3A_62 = arith.mulf %mul3A_61, %sub3A_51 : vector<10000x128xf32>
    %add3A_63 = arith.constant 9.99999974E-6 : f32
    %add3A_64 = vector.broadcast %add3A_63 : f32 to vector<128xf32>
    %add3A_65 = arith.addf %div3A_57, %add3A_64 : vector<128xf32>
    %rsqrt3A = math.rsqrt %add3A_65 : vector<128xf32>
    %broadcast_in_dim3A_66 = vector.shape_cast %rsqrt3A : vector<128xf32> to vector<1x128xf32>
    %mul3A_67 = vector.broadcast %broadcast_in_dim3A_66 : vector<1x128xf32> to vector<10000x128xf32>
    %mul3A_68 = arith.mulf %mul3A_62, %mul3A_67 : vector<10000x128xf32>
    %get3A_69 = arith.constant 0 : index
    %get3A_70 = arith.constant 0 : index
    %get3A_71 = vector.load %arg8[%get3A_69, %get3A_70] : memref<1x128xf32, #tpu.memory_space<vmem>>, vector<1x128xf32>
    %add3A_72 = vector.broadcast %get3A_71 : vector<1x128xf32> to vector<10000x128xf32>
    %add3A_73 = arith.addf %mul3A_68, %add3A_72 : vector<10000x128xf32>
    %get3A_74 = arith.constant 0 : index
    %get3A_75 = vector.load %arg9[%get3A_74] : memref<10000xi32, #tpu.memory_space<vmem>>, vector<10000xi32>
    %broadcast_in_dim3A_76 = vector.shape_cast %get3A_75 : vector<10000xi32> to vector<10000x1xi32>
    %iota3A = tpu.iota {dimensions = array<i32: 1>} : vector<1x128xi32>
    %eq3A = vector.broadcast %broadcast_in_dim3A_76 : vector<10000x1xi32> to vector<10000x128xi32>
    %eq3A_77 = vector.broadcast %iota3A : vector<1x128xi32> to vector<10000x128xi32>
    %eq3A_78 = arith.cmpi eq, %eq3A, %eq3A_77 : vector<10000x128xi32>
    %convert_element_type3A = arith.extui %eq3A_78 : vector<10000x128xi1> to vector<10000x128xi32>
    %convert_element_type3A_79 = arith.sitofp %convert_element_type3A : vector<10000x128xi32> to vector<10000x128xf32>
    %dot_general3A_80 = arith.constant dense<0.000000e+00> : vector<128x128xf32>
    %dot_general3A_81 = tpu.matmul %convert_element_type3A_79, %add3A_73, %dot_general3A_80 {dimension_numbers = #tpu.dot_dimension_numbers<[0], [0], [1], [1], [0, 1, 1, 1], [], []>, transpose_lhs_hint = false} : vector<10000x128xf32>, vector<10000x128xf32>, vector<128x128xf32> -> vector<128x128xf32>
    %reduce_sum3A_82 = arith.constant dense<0.000000e+00> : vector<128xf32>
    %reduce_sum3A_83 = vector.multi_reduction <add>, %convert_element_type3A_79, %reduce_sum3A_82 [0] : vector<10000x128xf32> to vector<128xf32>
    %max3A_84 = arith.constant 1.000000e+00 : f32
    %max3A_85 = vector.broadcast %max3A_84 : f32 to vector<128xf32>
    %max3A_86 = arith.maximumf %reduce_sum3A_83, %max3A_85 : vector<128xf32>
    %broadcast_in_dim3A_87 = vector.shape_cast %max3A_86 : vector<128xf32> to vector<128x1xf32>
    %div3A_88 = vector.broadcast %broadcast_in_dim3A_87 : vector<128x1xf32> to vector<128x128xf32>
    %div3A_89 = arith.divf %dot_general3A_81, %div3A_88 : vector<128x128xf32>
    %get3A_90 = arith.constant 0 : index
    %get3A_91 = arith.constant 0 : index
    %get3A_92 = vector.load %arg10[%get3A_90, %get3A_91] : memref<128x128xf32, #tpu.memory_space<vmem>>, vector<128x128xf32>
    %dot_general3A_93 = arith.constant dense<0.000000e+00> : vector<128x128xf32>
    %dot_general3A_94 = tpu.matmul %div3A_89, %get3A_92, %dot_general3A_93 {dimension_numbers = #tpu.dot_dimension_numbers<[1], [0], [0], [1], [0, 0, 1, 1], [], []>, transpose_lhs_hint = false} : vector<128x128xf32>, vector<128x128xf32>, vector<128x128xf32> -> vector<128x128xf32>
    %get3A_95 = arith.constant 0 : index
    %get3A_96 = arith.constant 0 : index
    %get3A_97 = vector.load %arg11[%get3A_95, %get3A_96] : memref<1x128xf32, #tpu.memory_space<vmem>>, vector<1x128xf32>
    %add3A_98 = vector.broadcast %get3A_97 : vector<1x128xf32> to vector<128x128xf32>
    %add3A_99 = arith.addf %dot_general3A_94, %add3A_98 : vector<128x128xf32>
    %max3A_100 = arith.constant 0.000000e+00 : f32
    %max3A_101 = vector.broadcast %max3A_100 : f32 to vector<128x128xf32>
    %max3A_102 = arith.maximumf %add3A_99, %max3A_101 : vector<128x128xf32>
    %get3A_103 = arith.constant 0 : index
    %get3A_104 = arith.constant 0 : index
    %get3A_105 = vector.load %arg12[%get3A_103, %get3A_104] : memref<128x10xf32, #tpu.memory_space<vmem>>, vector<128x10xf32>
    %dot_general3A_106 = arith.constant dense<0.000000e+00> : vector<128x10xf32>
    %dot_general3A_107 = tpu.matmul %max3A_102, %get3A_105, %dot_general3A_106 {dimension_numbers = #tpu.dot_dimension_numbers<[1], [0], [0], [1], [0, 0, 1, 1], [], []>, transpose_lhs_hint = false} : vector<128x128xf32>, vector<128x10xf32>, vector<128x10xf32> -> vector<128x10xf32>
    %get3A_108 = arith.constant 0 : index
    %get3A_109 = arith.constant 0 : index
    %get3A_110 = vector.load %arg13[%get3A_108, %get3A_109] : memref<1x10xf32, #tpu.memory_space<vmem>>, vector<1x10xf32>
    %add3A_111 = vector.broadcast %get3A_110 : vector<1x10xf32> to vector<128x10xf32>
    %add3A_112 = arith.addf %dot_general3A_107, %add3A_111 : vector<128x10xf32>
    %reduce_max3A = arith.constant dense<0xFF800000> : vector<128xf32>
    %reduce_max3A_113 = vector.multi_reduction <maximumf>, %add3A_112, %reduce_max3A [1] : vector<128x10xf32> to vector<128xf32>
    %broadcast_in_dim3A_114 = vector.shape_cast %reduce_max3A_113 : vector<128xf32> to vector<128x1xf32>
    %sub3A_115 = vector.broadcast %broadcast_in_dim3A_114 : vector<128x1xf32> to vector<128x10xf32>
    %sub3A_116 = arith.subf %add3A_112, %sub3A_115 : vector<128x10xf32>
    %exp3A = math.exp %sub3A_116 : vector<128x10xf32>
    %reduce_sum3A_117 = arith.constant dense<0.000000e+00> : vector<128xf32>
    %reduce_sum3A_118 = vector.multi_reduction <add>, %exp3A, %reduce_sum3A_117 [1] : vector<128x10xf32> to vector<128xf32>
    %broadcast_in_dim3A_119 = vector.shape_cast %reduce_sum3A_118 : vector<128xf32> to vector<128x1xf32>
    %log3A = math.log %broadcast_in_dim3A_119 : vector<128x1xf32>
    %add3A_120 = arith.addf %broadcast_in_dim3A_114, %log3A : vector<128x1xf32>
    %sub3A_121 = vector.broadcast %add3A_120 : vector<128x1xf32> to vector<128x10xf32>
    %sub3A_122 = arith.subf %add3A_112, %sub3A_121 : vector<128x10xf32>
    %swap3A = arith.constant 0 : index
    %swap3A_123 = arith.constant 0 : index
    %swap3A_124 = vector.load %arg14[%swap3A, %swap3A_123] : memref<128x10xf32, #tpu.memory_space<vmem>>, vector<128x10xf32>
    tpu.vector_store %arg14[%swap3A, %swap3A_123], %sub3A_122 {strides = array<i32>} : memref<128x10xf32, #tpu.memory_space<vmem>>, vector<128x10xf32>,
    return
  }
}

</mosaic_0001>

<sc_bundles>
// kernel: kernel.11.cloned.1.call-start
scs
__scs_entry_jumppad:
0x0: {  	(pc) =	sbr.rel $0x88, $3  }
0x1: {  	(tag) =	ssettag $0x0;
	lr =	simm.s32 $0x1  }
0x2: {  	[smem:$0x3F85] =	sst lr;
	_ =	strace $0xD0000000  }
0x3: {  	_ = 	snop  }
0x4: {  	_ = 	snop  }
0x5: {  	_ = 	snop  }
0x6: {  	_ = 	snop  }
0x7: {  	_ = 	snop  }
__scs_overlays_trampoline_lowered:
0x8: {  	[smem:$0x3F94] =	sst s0  }
0x9: {  	[smem:$0x3F95] =	sst s1  }
0xa: {  	[smem:$0x3F96] =	sst s2  }
0xb: {  	[smem:$0x3F97] =	sst s3  }
0xc: {  	[smem:$0x3F98] =	sst s4  }
0xd: {  	[smem:$0x3F99] =	sst s5  }
0xe: {  	[smem:$0x3F9A] =	sst s6  }
0xf: {  	[smem:$0x3F9B] =	sst s7  }
0x10: {  	[smem:$0x3F9C] =	sst s8  }
0x11: {  	[smem:$0x3F9D] =	sst s9;
	s0 =	simm.s32 @!p0 $0x0  }
0x12: {  	s1 =	sld [smem:$0x3F83];
	s0 =	simm.s32 @p0 $0x1  }
0x13: {  	[smem:$0x3F9E] =	sst s0;
	s0 =	simm.s32 @!p1 $0x0  }
0x14: {  	s2 =	sld [smem:$0x3F82];
	s0 =	simm.s32 @p1 $0x1  }
0x15: {  	[smem:$0x3F9F] =	sst s0;
	s0 =	simm.s32 @!p2 $0x0  }
0x16: {  	s3 =	sld [smem:$0x3FDB];
	s0 =	simm.s32 @p2 $0x1  }
0x17: {  	s4 =	simm.s32 $0x1BF5;
	[smem:$0x3FA1] =	sst s0  }
0x18: {  	s0 =	sld [smem:$0x3F84];
	_ =	swait.ge [sflag:s4], $0x0  }
0x19: {  	s7 =	sld [smem:$0x3F85]  }
0x1a: {  	s8 =	sadd.s32 $0xFFFFE003, lr  }
0x1b: {  	s9 =	sadd.s32 $0xFFFFFEF7, lr;
	s5 =	simm.s32 $0xFFFFFFFF;
	p2 =	slt.u32 s8, $0xFFFFF086  }
0x1c: {  	p1 =	slt.u32 s9, $0xF7A;
	s5 =	simm.s32 @!p2 $0x0  }
0x1d: {  	s5 =	simm.s32 @p1 $0x1;
	p0 =	seq.s32 s7, s2  }
0x1e: {  	s7 =	smul.u32 @!p0 $0xF7A, s2;
	p2 =	seq.s32 @!p0 s5, $0x0  }
0x1f: {  	s9 =	smul.u32 $0xF7A, s1;
	s8 =	simm.s32 @!p0 $0x1BF5;
	p2 =	por !p2, p0  }
0x20: {  	[sflag:s8] =	ssyncset.s32 @!p0 $0xFFFFF086;
	s6 =	sadd.s32 @!p0 s3, s7;
	s7 =	simm.s32 @!p0 $0x108  }
0x21: {  	s3 =	sadd.s32 s3, s9;
	s6 =	sadd.s32 @!p0 $0x88, s6;
	s7 =	simm.s32 @p2 $0x1082  }
0x22: {  	[simem:s7], [sflag:s8] =	dma.local @!p0 [hbm:s6], $0xF7A  }
0x23: {  	s9 =	sor.u32 $0xD0000000, s2;
	s6 =	simm.s32 $0x108;
	_ =	swait.ge @!p0 [sflag:s8], $0x0  }
0x24: {  	s3 =	sadd.s32 $0x88, s3;
	s6 =	simm.s32 @!p1 $0x1082;
	[sflag:s4] =	ssyncset.s32 $0xFFFFF086  }
0x25: {  	[simem:s6], [sflag:s4] =	dma.local [hbm:s3], $0xF7A  }
0x26: {  	[smem:$0x3F85] =	sst s1;
	(tag) =	ssettag s2;
	_ =	strace s9  }
0x27: {  	s1 =	sld [smem:$0x3F95]  }
0x28: {  	s2 =	sld [smem:$0x3F96]  }
0x29: {  	s4 =	sld [smem:$0x3F98]  }
0x2a: {  	p0 =	seq.s32 s5, $0x0;
	s5 =	sld [smem:$0x3F99]  }
0x2b: {  	s6 =	sld [smem:$0x3F9A]  }
0x2c: {  	s7 =	sld [smem:$0x3F9B]  }
0x2d: {  	s3 =	simm.s32 $0x108;
	s8 =	sld [smem:$0x3F9C]  }
0x2e: {  	s3 =	simm.s32 @!p0 $0x1082;
	s9 =	sld [smem:$0x3F9D]  }
0x2f: {  	lr =	sadd.s32 s0, s3;
	s0 =	sld [smem:$0x3F94]  }
0x30: {  	s3 =	sld [smem:$0x3F97]  }
0x31: {  	[smem:$0x3FA0] =	sst s10  }
0x32: {  	s10 =	sld [smem:$0x3F9E];
	_ =	sdelay $0x3  }
0x33: {  	p0 =	seq.s32 s10, $0x1;
	s10 =	sld [smem:$0x3FA0];
	_ =	sdelay $0x3  }
0x34: {  	[smem:$0x3FA0] =	sst s10  }
0x35: {  	s10 =	sld [smem:$0x3F9F];
	_ =	sdelay $0x3  }
0x36: {  	p1 =	seq.s32 s10, $0x1;
	s10 =	sld [smem:$0x3FA0];
	_ =	sdelay $0x3  }
0x37: {  	[smem:$0x3FA0] =	sst s10  }
0x38: {  	s10 =	sld [smem:$0x3FA1]  }
0x39: {  	_ = 	snop;
	(pc) =	sbr.ind lr, $3  }
0x3a: {  	_ = 	snop  }
0x3b: {  	_ = 	snop  }
0x3c: {  	p2 =	seq.s32 s10, $0x1;
	s10 =	sld [smem:$0x3FA0]  }
0x3d: {  	_ =	shalt  }
0x3e: {  	_ =	shalt  }
0x3f: {  	_ =	shalt  }
0x40: {  	_ =	shalt  }
0x41: {  	_ =	shalt  }
0x42: {  	_ =	shalt  }
0x43: {  	_ =	shalt  }
0x44: {  	_ =	shalt  }
0x45: {  	_ =	shalt  }
0x46: {  	_ =	shalt  }
0x47: {  	_ =	shalt  }
0x48: {  	_ =	shalt  }
0x49: {  	_ =	shalt  }
0x4a: {  	_ =	shalt  }
0x4b: {  	_ =	shalt  }
0x4c: {  	_ =	shalt  }
0x4d: {  	_ =	shalt  }
0x4e: {  	_ =	shalt  }
0x4f: {  	_ =	shalt  }
0x50: {  	_ =	shalt  }
0x51: {  	_ =	shalt  }
0x52: {  	_ =	shalt  }
0x53: {  	_ =	shalt  }
0x54: {  	_ =	shalt  }
0x55: {  	_ =	shalt  }
0x56: {  	_ =	shalt  }
0x57: {  	_ =	shalt  }
0x58: {  	_ =	shalt  }
0x59: {  	_ =	shalt  }
0x5a: {  	_ =	shalt  }
0x5b: {  	_ =	shalt  }
0x5c: {  	_ =	shalt  }
0x5d: {  	_ =	shalt  }
0x5e: {  	_ =	shalt  }
0x5f: {  	_ =	shalt  }
0x60: {  	_ =	shalt  }
0x61: {  	_ =	shalt  }
0x62: {  	_ =	shalt  }
0x63: {  	_ =	shalt  }
0x64: {  	_ =	shalt  }
0x65: {  	_ =	shalt  }
0x66: {  	_ =	shalt  }
0x67: {  	_ =	shalt  }
0x68: {  	_ =	shalt  }
0x69: {  	_ =	shalt  }
0x6a: {  	_ =	shalt  }
0x6b: {  	_ =	shalt  }
0x6c: {  	_ =	shalt  }
0x6d: {  	_ =	shalt  }
0x6e: {  	_ =	shalt  }
0x6f: {  	_ =	shalt  }
0x70: {  	_ =	shalt  }
0x71: {  	_ =	shalt  }
0x72: {  	_ =	shalt  }
0x73: {  	_ =	shalt  }
0x74: {  	_ =	shalt  }
0x75: {  	_ =	shalt  }
0x76: {  	_ =	shalt  }
0x77: {  	_ =	shalt  }
0x78: {  	_ =	shalt  }
0x79: {  	_ =	shalt  }
0x7a: {  	_ =	shalt  }
0x7b: {  	_ =	shalt  }
0x7c: {  	_ =	shalt  }
0x7d: {  	_ =	shalt  }
0x7e: {  	_ =	shalt  }
0x7f: {  	_ =	shalt  }
0x80: {  	_ =	shalt  }
0x81: {  	_ =	shalt  }
0x82: {  	_ =	shalt  }
0x83: {  	_ =	shalt  }
0x84: {  	_ =	shalt  }
0x85: {  	_ =	shalt  }
0x86: {  	_ =	shalt  }
0x87: {  	_ =	shalt  }
.Lfunc_end0:
.L_simem_size_0:
called_computation.1_lowered:
.L_overlay_start_0:
0x88: {  	s2 =	sld [smem:$0x3FD9]  }
0x89: {  	s3 =	sld [smem:$0x3FFE];
	_ =	sdelay $0x1  }
0x8a: {  	s1 =	srdreg.scid  }
0x8b: {  	s0 =	sand.u32 $0x1, s1  }
0x8c: {  	s16 =	sshll.u32 s0, $0xA;
	s2 =	sadd.s32 s3, s2  }
0x8d: {  	s2 =	sadd.s32 s2, s16  }
0x8e: {  	[smem:$0x3FAC] =	sst s2  }
0x8f: {  	_ = 	snop  }
0x90: {  	(tm) =	ssettm $0x1  }
0x91: {  	s17 =	sld [smem:$0x3FFB];
	_ =	sdelay $0x3  }
0x92: {  	_ =	strace s17  }
0x93: {  	s2 =	sld [smem:$0x3FFC];
	_ =	sdelay $0x3  }
0x94: {  	_ =	strace s2  }
0x95: {  	s2 =	sld [smem:$0x3FFD];
	_ =	sdelay $0x3  }
0x96: {  	_ =	strace s2  }
0x97: {  	_ =	strace $0x8FFFFFFF  }
0x98: {  	s18 =	sld [smem:$0x3FDB];
	_ =	sdelay $0x1  }
0x99: {  	s19 =	simm.s32 $_scs_section_size  }
0x9a: {  	s4 =	simm.s32 $_size__tile_overlayer_lowered;
	s5 =	simm.s32 $_tile_overlayer_lowered  }
0x9b: {  	s22 =	simm.s32 $0x1BFF;
	s21 =	sshll.u32 s5, $0x1;
	s2 =	sadd.s32 s19, s18  }
0x9c: {  	s6 =	simm.s32 $0x0;
	s20 =	sshll.u32 s4, $0x1;
	s4 =	sadd.s32 s21, s2  }
0x9d: {  	[timem:s6], [sflag:s22] =	dma.local [hbm:s4], s20  }
0x9e: {  	_ =	swait.ge [sflag:s22], s20  }
0x9f: {  	s3 =	ssub.s32 $0x0, s20;
	[sflag:s22] =	ssyncset.done $0x0  }
0xa0: {  	[sflag:s22] =	ssyncadd.s32 s3;
	_ =	sdelay $0x1  }
0xa1: {  	s23 =	simm.s32 $0x1B8B  }
0xa2: {  	_ =	swait.ge [sflag:s23], $0x1  }
0xa3: {  	[sflag:s23] =	ssyncset.done $0x0  }
0xa4: {  	s25 =	simm.s32 $0x1B8E;
	s24 =	sld [smem:$0x3FFE];
	[sflag:s23] =	ssyncadd.s32 $0xFFFFFFFF  }
0xa5: {  	s26 =	simm.s32 $execute0_lowered;
	[smem:$0x3FD2] =	sst s25  }
0xa6: {  	s4 =	sshll.u32 s26, $0x1;
	_ =	strace $0x80000049;
	[dreg:$0x1] =	wrdreg $0xFFFFFFFF  }
0xa7: {  	s28 =	simm.s32 $_size_execute0_lowered;
	s2 =	sadd.s32 s2, s4;
	[dreg:$0x0] =	wrdreg $0x0  }
0xa8: {  	s4 =	sshll.u32 s28, $0x1;
	[dreg:$0x2] =	wrdreg s2  }
0xa9: {  	[dreg:$0x3] =	wrdreg s4  }
0xaa: {  	[dreg:$0x4] =	wrdreg $0xC0  }
0xab: {  	_ =	task [dreg:s6], $0x5FFFF  }
0xac: {  	[dreg:$0x1] =	wrdreg $0xFFFFFFFF  }
0xad: {  	[dreg:$0x0] =	wrdreg $0x60  }
0xae: {  	[dreg:$0x2] =	wrdreg s24  }
0xaf: {  	[dreg:$0x3] =	wrdreg $0x0  }
0xb0: {  	[dreg:$0x4] =	wrdreg $0xA0000  }
0xb1: {  	[dreg:$0x5] =	wrdreg $0x9  }
0xb2: {  	_ =	task.clear_ibuf [dreg:s6], $0x6FFFF;
	_ =	strace $0x90000049  }
0xb3: {  	s29 =	simm.s32 $0x9;
	_ =	strace $0x8000004B  }
0xb4: {  	_ =	swait.ge [sflag:s29], $0x1  }
0xb5: {  	[sflag:s29] =	ssyncadd.s32 $0xFFFFFFFF  }
0xb6: {  	_ =	strace $0x9000004B  }
0xb7: {  	_ =	sfence  }
0xb8: {  	s30 =	sld [smem:$0x0];
	_ =	sdelay $0x2  }
0xb9: {  	s31 =	sshll.u32 s1, $0xD;
	s1 =	sshrl.u32 s1, $0x2  }
0xba: {  	s3 =	sand.u32 $0x4000, s31;
	s1 =	sadd.s32 s1, s30  }
0xbb: {  	s0 =	sor.u32 s3, s0;
	s1 =	sshll.u32 s1, $0x11  }
0xbc: {  	s0 =	sor.u32 s1, s0  }
0xbd: {  	s0 =	sadd.s32 $0x8F2B, s0  }
0xbe: {  	[sflag:s0] =	ssyncadd.remote.s32 $0x1  }
0xbf: {  	_ =	sfence.sel $0xFFFF  }
0xc0: {  	[dreg:$0x0] =	wrdreg $0xFFFFFFFF;
	(pc) =	sbr.abs _section_cstart, $3  }
0xc1: {  	[dreg:$0x1] =	wrdreg $0xFFFFFFFF  }
0xc2: {  	_ =	task.clear_ibuf [dreg:s6], $0x2FFFF;
	_ =	strace $0x9FFFFFFF  }
0xc3: {  	(tm) =	ssettm $0x7FFFFFFF  }
tec
execute0_lowered:
.L_overlay_start_1:
0x0: {  	(tag) =	ssettag $0x1  }
0x1: {  	s8 =	rddreg [dreg:$0x0]  }
0x2: {  	s1 =	rddreg [dreg:$0x1]  }
0x3: {  	s2 =	rddreg [dreg:$0x2]  }
0x4: {  	s3 =	srdreg.scid;
	s4 =	simm.s32 $0x0;
	s17 =	simm.s32 $0x1  }
0x5: {  	s18 =	simm.s32 $0x2;
	s19 =	simm.s32 $0x14000;
	s20 =	simm.s32 $0x3  }
0x6: {  	s21 =	simm.s32 $0x15400;
	s22 =	simm.s32 $0x80;
	s23 =	simm.s32 $0x16800  }
0x7: {  	s24 =	simm.s32 $0x14080;
	s25 =	simm.s32 $0x1A800;
	s26 =	simm.s32 $0x16700  }
0x8: {  	s28 =	simm.s32 $0x16780;
	s7 =	sand.u32 $0x1, s3;
	s3 =	stileid.u32  }
0x9: {  	[smem:$0x7FF] =	sst s4;
	s5 =	sadd.s32 $0x54C00, s8;
	s9 =	smul.u32 $0x140000, s7  }
0xa: {  	s6 =	sadd.s32 $0x5EC00, s8;
	s11 =	smul.u32 $0x14000, s3;
	s10 =	ssub.s32 $0x2, s7  }
0xb: {  	_ =	strace $0x8000004A;
	s7 =	sadd.s32 $0x68C00, s8;
	s12 =	sshrl.u32 s10, $0x1  }
0xc: {  	s9 =	sadd.s32 s11, s9;
	s14 =	ssub.s32 s10, s12;
	s15 =	sadd.s32 s11, s1  }
0xd: {  	s16 =	sadd.s32 s11, s2;
	s11 =	smul.u32 $0x5000, s3;
	s9 =	sshrl.u32 s9, $0x3  }
0xe: {  	s16 =	sshrl.u32 s16, $0x3;
	s13 =	sadd.s32 s9, s8;
	s8 =	sshll.u32 s3, $0x6  }
0xf: {  	s9 =	sadd.s32 $0x4C00, s13;
	s10 =	sor.u32 $0x1C01, s8;
	s12 =	sadd.s32 $0x6B400, s13  }
0x10: {  	s13 =	smax.u32 s14, $0x1;
	s14 =	sshrl.u32 s15, $0x3;
	s15 =	sor.u32 $0x1C02, s8  }
.LBB2_1:
0x11: {  	[spmem:s14], [sflag:s10] =	dma.local [hbm:s9], $0x2800  }
0x12: {  	[spmem:s16], [sflag:s15] =	dma.local [hbm:s7], $0x2800  }
0x13: {  	_ =	swait.ge [sflag:s17], $0x2800  }
0x14: {  	[sflag:s17] =	ssyncset.done $0x0  }
0x15: {  	[sflag:s17] =	ssyncadd.s32 $0xFFFFD800  }
0x16: {  	_ =	swait.ge [sflag:s18], $0x2800  }
0x17: {  	[sflag:s18] =	ssyncset.done $0x0  }
0x18: {  	[sflag:s18] =	ssyncadd.s32 $0xFFFFD800  }
0x19: {  	s29 =	simm.s32 $0x0;
	[bflag:$0x0] =	sbarrier.arrive $0xFFFF  }
.LBB2_2:
0x1a: {  	s30 =	smul.u32 $0x1400, s29;
	_ =	sdelay $0x1  }
0x1b: {  	s30 =	sadd.s32 s11, s30  }
0x1c: {  	s30 =	sshrl.u32 s30, $0x3  }
0x1d: {  	s0 =	simm.s32 $0x0;
	s31 =	sadd.s32 s5, s30  }
0x1e: {  	[tilespmem:s19], [sflag:$0x3] =	stream.linear.gather [hbm4b:s31+s0], $0x1400, $0x38;
	[tilespmem:$0x1E800] =	vst v63  }
0x1f: {  	_ =	swait.ge [sflag:s20], $0x1400  }
0x20: {  	[sflag:s20] =	ssyncset.done $0x0  }
0x21: {  	s30 =	sadd.s32 s6, s30;
	[sflag:s20] =	ssyncadd.s32 $0xFFFFEC00  }
0x22: {  	[tilespmem:s21], [sflag:$0x3] =	stream.linear.gather [hbm4b:s30+s0], $0x1400, $0x38;
	[tilespmem:$0x1E800] =	vst v63  }
0x23: {  	_ =	swait.ge [sflag:s20], $0x1400  }
0x24: {  	[sflag:s20] =	ssyncset.done $0x0  }
0x25: {  	[sflag:s20] =	ssyncadd.s32 $0xFFFFEC00  }
0x26: {  	[tilespmem:s23], [sflag:$0x1] =	stream.indirect.gather [spmem:s1], $0x40, s19, s22, $0xb8;
	[tilespmem:$0x1E800] =	vst v63  }
0x27: {  	_ = 	snop  }
0x28: {  	[tilespmem:s25], [sflag:$0x2] =	stream.indirect.gather [spmem:s1], $0x40, s24, s22, $0xb8;
	[tilespmem:$0x1E800] =	vst v63  }
0x29: {  	_ =	swait.ge [sflag:s17], $0x2000  }
0x2a: {  	[sflag:s17] =	ssyncset.done $0x0  }
0x2b: {  	s0 =	simm.s32 $0x15400;
	[sflag:s17] =	ssyncadd.s32 $0xFFFFE000  }
0x2c: {  	[spmem:s2] =	stream.indirect.scatter.add.f32 [tilespmem:s23], [sflag:$0x3], $0x40, s0, s22, $0xb8;
	[tilespmem:$0x1E800] =	vst v63  }
0x2d: {  	_ =	swait.ge [sflag:s20], $0x2000  }
0x2e: {  	[sflag:s20] =	ssyncset.done $0x0  }
0x2f: {  	s0 =	simm.s32 $0x14100;
	[sflag:s20] =	ssyncadd.s32 $0xFFFFE000  }
0x30: {  	[tilespmem:s23], [sflag:$0x1] =	stream.indirect.gather [spmem:s1], $0x40, s0, s22, $0xb8;
	[tilespmem:$0x1E800] =	vst v63  }
0x31: {  	_ =	swait.ge [sflag:s18], $0x2000  }
0x32: {  	[sflag:s18] =	ssyncset.done $0x0  }
0x33: {  	s0 =	simm.s32 $0x15480;
	[sflag:s18] =	ssyncadd.s32 $0xFFFFE000  }
0x34: {  	[spmem:s2] =	stream.indirect.scatter.add.f32 [tilespmem:s25], [sflag:$0x3], $0x40, s0, s22, $0xb8;
	[tilespmem:$0x1E800] =	vst v63  }
0x35: {  	_ =	swait.ge [sflag:s20], $0x2000  }
0x36: {  	[sflag:s20] =	ssyncset.done $0x0  }
0x37: {  	s31 =	simm.s32 $0x14180;
	s30 =	simm.s32 $0x400;
	[sflag:s20] =	ssyncadd.s32 $0xFFFFE000  }
.LBB2_3:
0x38: {  	[tilespmem:s25], [sflag:$0x2] =	stream.indirect.gather [spmem:s1], $0x40, s31, s22, $0xb8;
	[tilespmem:$0x1E800] =	vst v63  }
0x39: {  	s0 =	smov.u32 s30  }
0x3a: {  	p0 =	sne.s32 s30, $0x4800;
	s30 =	sadd.s32 $0x400, s30;
	_ =	swait.ge [sflag:s17], $0x2000  }
0x3b: {  	s0 =	sshra.s32 s0, $0x2;
	[sflag:s17] =	ssyncset.done $0x0  }
0x3c: {  	s31 =	sadd.s32 $0x15400, s0;
	[sflag:s17] =	ssyncadd.s32 $0xFFFFE000  }
0x3d: {  	[spmem:s2] =	stream.indirect.scatter.add.f32 [tilespmem:s23], [sflag:$0x3], $0x40, s31, s22, $0xb8;
	[tilespmem:$0x1E800] =	vst v63  }
0x3e: {  	_ =	swait.ge [sflag:s20], $0x2000  }
0x3f: {  	[sflag:s20] =	ssyncset.done $0x0  }
0x40: {  	s31 =	sadd.s32 $0x14100, s0;
	[sflag:s20] =	ssyncadd.s32 $0xFFFFE000  }
0x41: {  	[tilespmem:s23], [sflag:$0x1] =	stream.indirect.gather [spmem:s1], $0x40, s31, s22, $0xb8;
	[tilespmem:$0x1E800] =	vst v63  }
0x42: {  	_ =	swait.ge [sflag:s18], $0x2000  }
0x43: {  	[sflag:s18] =	ssyncset.done $0x0  }
.Ltmp0:
0x44: {  	s31 =	sadd.s32 $0x15480, s0;
	[sflag:s18] =	ssyncadd.s32 $0xFFFFE000;
	(pc) =	sbr.rel @p0 .LBB2_3-.Ltmp0, $4  }
0x45: {  	[spmem:s2] =	stream.indirect.scatter.add.f32 [tilespmem:s25], [sflag:$0x3], $0x40, s31, s22, $0xb8;
	[tilespmem:$0x1E800] =	vst v63  }
0x46: {  	_ =	swait.ge [sflag:s20], $0x2000  }
0x47: {  	[sflag:s20] =	ssyncset.done $0x0  }
0x48: {  	s31 =	sadd.s32 $0x14180, s0;
	[sflag:s20] =	ssyncadd.s32 $0xFFFFE000  }
0x49: {  	[tilespmem:s25], [sflag:$0x2] =	stream.indirect.gather [spmem:s1], $0x40, s31, s22, $0xb8;
	[tilespmem:$0x1E800] =	vst v63  }
0x4a: {  	_ =	swait.ge [sflag:s17], $0x2000  }
0x4b: {  	[sflag:s17] =	ssyncset.done $0x0  }
0x4c: {  	[sflag:s17] =	ssyncadd.s32 $0xFFFFE000  }
0x4d: {  	[spmem:s2] =	stream.indirect.scatter.add.f32 [tilespmem:s23], [sflag:$0x3], $0x40, s26, s22, $0xb8;
	[tilespmem:$0x1E800] =	vst v63  }
0x4e: {  	_ =	swait.ge [sflag:s20], $0x2000  }
0x4f: {  	[sflag:s20] =	ssyncset.done $0x0  }
0x50: {  	[sflag:s20] =	ssyncadd.s32 $0xFFFFE000  }
0x51: {  	s29 =	sadd.s32 $0x1, s29;
	_ =	swait.ge [sflag:s18], $0x2000  }
0x52: {  	p0 =	sne.s32 s29, $0x4;
	[sflag:s18] =	ssyncset.done $0x0  }
.Ltmp1:
0x53: {  	[sflag:s18] =	ssyncadd.s32 $0xFFFFE000;
	(pc) =	sbr.rel @p0 .LBB2_2-.Ltmp1, $4  }
0x54: {  	[spmem:s2] =	stream.indirect.scatter.add.f32 [tilespmem:s25], [sflag:$0x3], $0x40, s28, s22, $0xb8;
	[tilespmem:$0x1E800] =	vst v63  }
0x55: {  	_ =	swait.ge [sflag:s20], $0x2000  }
0x56: {  	[sflag:s20] =	ssyncset.done $0x0  }
0x57: {  	[sflag:s20] =	ssyncadd.s32 $0xFFFFE000  }
0x58: {  	s4 =	sadd.s32 $0x1, s4  }
0x59: {  	p0 =	sne.s32 s4, s13  }
.Ltmp2:
0x5a: {  	[bflag:$0x0] =	sbarrier.arrive $0xFFFF;
	s0 =	sor.u32 $0x1C03, s8;
	(pc) =	sbr.rel @p0 .LBB2_1-.Ltmp2, $4  }
0x5b: {  	[hbm:s12], [sflag:s0] =	dma.local [spmem:s16], $0x2800  }
0x5c: {  	_ =	swait.ge [sflag:s20], $0x2800  }
0x5d: {  	[sflag:s20] =	ssyncset.done $0x0  }
0x5e: {  	[sflag:s20] =	ssyncadd.s32 $0xFFFFD800  }
0x5f: {  	_ =	sfence.sel $0x180000  }
0x60: {  	[bflag:$0x0] =	sbarrier.arrive $0xFFFF  }
0x61: {  	_ =	strace $0x9000004A  }
0x62: {  	[bflag:$0x2] =	sbarrier.arrive $0xFFFF  }
0x63: {  	p0 =	sne.s32 s3, $0x0;
	s0 =	rddreg [dreg:$0x3]  }
0x64: {  	s0 =	sadd.s32 @!p0 $0x100000, s0  }
0x65: {  	[sflag:s0] =	ssyncadd.tile.s32 @!p0 $0x1;
	_ =	shalt  }
.Lfunc_end2:
_tile_overlayer_lowered:
.L_overlay_start_2:
0x66: {  	(tag) =	ssettag $0x2  }
0x67: {  	s0 =	rddreg [dreg:$0x0];
	s2 =	stileid.u32  }
0x68: {  	s1 =	rddreg [dreg:$0x1];
	p0 =	sne.s32 s2, $0x0  }
0x69: {  	s3 =	rddreg [dreg:$0x2];
	[bflag:$0x3] =	sbarrier.arrive $0xFFFF;
	s2 =	simm.s32 @!p0 $0x1C03  }
0x6a: {  	[timem:s3], [sflag:s2] =	dma.local @!p0 [hbm:s0], s1  }
0x6b: {  	s0 =	simm.s32 @!p0 $0x3  }
0x6c: {  	_ =	swait.ge @!p0 [sflag:s0], s1  }
0x6d: {  	s1 =	ssub.s32 @!p0 $0x0, s1;
	[sflag:s0] =	ssyncset.done @!p0 $0x0  }
0x6e: {  	[sflag:s0] =	ssyncadd.s32 @!p0 s1  }
0x6f: {  	[bflag:$0x3] =	sbarrier.arrive $0xFFFF  }
0x70: {  	_ =	shalt  }

// kernel: kernel.14.cloned.1.call-start
scs
__scs_entry_jumppad:
0x0: {  	(pc) =	sbr.rel $0x88, $3  }
0x1: {  	(tag) =	ssettag $0x0;
	lr =	simm.s32 $0x1  }
0x2: {  	[smem:$0x3F85] =	sst lr;
	_ =	strace $0xD0000000  }
0x3: {  	_ = 	snop  }
0x4: {  	_ = 	snop  }
0x5: {  	_ = 	snop  }
0x6: {  	_ = 	snop  }
0x7: {  	_ = 	snop  }
__scs_overlays_trampoline_lowered:
0x8: {  	[smem:$0x3F94] =	sst s0  }
0x9: {  	[smem:$0x3F95] =	sst s1  }
0xa: {  	[smem:$0x3F96] =	sst s2  }
0xb: {  	[smem:$0x3F97] =	sst s3  }
0xc: {  	[smem:$0x3F98] =	sst s4  }
0xd: {  	[smem:$0x3F99] =	sst s5  }
0xe: {  	[smem:$0x3F9A] =	sst s6  }
0xf: {  	[smem:$0x3F9B] =	sst s7  }
0x10: {  	[smem:$0x3F9C] =	sst s8  }
0x11: {  	[smem:$0x3F9D] =	sst s9;
	s0 =	simm.s32 @!p0 $0x0  }
0x12: {  	s1 =	sld [smem:$0x3F83];
	s0 =	simm.s32 @p0 $0x1  }
0x13: {  	[smem:$0x3F9E] =	sst s0;
	s0 =	simm.s32 @!p1 $0x0  }
0x14: {  	s2 =	sld [smem:$0x3F82];
	s0 =	simm.s32 @p1 $0x1  }
0x15: {  	[smem:$0x3F9F] =	sst s0;
	s0 =	simm.s32 @!p2 $0x0  }
0x16: {  	s3 =	sld [smem:$0x3FDB];
	s0 =	simm.s32 @p2 $0x1  }
0x17: {  	s4 =	simm.s32 $0x1BF5;
	[smem:$0x3FA1] =	sst s0  }
0x18: {  	s0 =	sld [smem:$0x3F84];
	_ =	swait.ge [sflag:s4], $0x0  }
0x19: {  	s7 =	sld [smem:$0x3F85]  }
0x1a: {  	s8 =	sadd.s32 $0xFFFFE003, lr  }
0x1b: {  	s9 =	sadd.s32 $0xFFFFFEF7, lr;
	s5 =	simm.s32 $0xFFFFFFFF;
	p2 =	slt.u32 s8, $0xFFFFF086  }
0x1c: {  	p1 =	slt.u32 s9, $0xF7A;
	s5 =	simm.s32 @!p2 $0x0  }
0x1d: {  	s5 =	simm.s32 @p1 $0x1;
	p0 =	seq.s32 s7, s2  }
0x1e: {  	s7 =	smul.u32 @!p0 $0xF7A, s2;
	p2 =	seq.s32 @!p0 s5, $0x0  }
0x1f: {  	s9 =	smul.u32 $0xF7A, s1;
	s8 =	simm.s32 @!p0 $0x1BF5;
	p2 =	por !p2, p0  }
0x20: {  	[sflag:s8] =	ssyncset.s32 @!p0 $0xFFFFF086;
	s6 =	sadd.s32 @!p0 s3, s7;
	s7 =	simm.s32 @!p0 $0x108  }
0x21: {  	s3 =	sadd.s32 s3, s9;
	s6 =	sadd.s32 @!p0 $0x88, s6;
	s7 =	simm.s32 @p2 $0x1082  }
0x22: {  	[simem:s7], [sflag:s8] =	dma.local @!p0 [hbm:s6], $0xF7A  }
0x23: {  	s9 =	sor.u32 $0xD0000000, s2;
	s6 =	simm.s32 $0x108;
	_ =	swait.ge @!p0 [sflag:s8], $0x0  }
0x24: {  	s3 =	sadd.s32 $0x88, s3;
	s6 =	simm.s32 @!p1 $0x1082;
	[sflag:s4] =	ssyncset.s32 $0xFFFFF086  }
0x25: {  	[simem:s6], [sflag:s4] =	dma.local [hbm:s3], $0xF7A  }
0x26: {  	[smem:$0x3F85] =	sst s1;
	(tag) =	ssettag s2;
	_ =	strace s9  }
0x27: {  	s1 =	sld [smem:$0x3F95]  }
0x28: {  	s2 =	sld [smem:$0x3F96]  }
0x29: {  	s4 =	sld [smem:$0x3F98]  }
0x2a: {  	p0 =	seq.s32 s5, $0x0;
	s5 =	sld [smem:$0x3F99]  }
0x2b: {  	s6 =	sld [smem:$0x3F9A]  }
0x2c: {  	s7 =	sld [smem:$0x3F9B]  }
0x2d: {  	s3 =	simm.s32 $0x108;
	s8 =	sld [smem:$0x3F9C]  }
0x2e: {  	s3 =	simm.s32 @!p0 $0x1082;
	s9 =	sld [smem:$0x3F9D]  }
0x2f: {  	lr =	sadd.s32 s0, s3;
	s0 =	sld [smem:$0x3F94]  }
0x30: {  	s3 =	sld [smem:$0x3F97]  }
0x31: {  	[smem:$0x3FA0] =	sst s10  }
0x32: {  	s10 =	sld [smem:$0x3F9E];
	_ =	sdelay $0x3  }
0x33: {  	p0 =	seq.s32 s10, $0x1;
	s10 =	sld [smem:$0x3FA0];
	_ =	sdelay $0x3  }
0x34: {  	[smem:$0x3FA0] =	sst s10  }
0x35: {  	s10 =	sld [smem:$0x3F9F];
	_ =	sdelay $0x3  }
0x36: {  	p1 =	seq.s32 s10, $0x1;
	s10 =	sld [smem:$0x3FA0];
	_ =	sdelay $0x3  }
0x37: {  	[smem:$0x3FA0] =	sst s10  }
0x38: {  	s10 =	sld [smem:$0x3FA1]  }
0x39: {  	_ = 	snop;
	(pc) =	sbr.ind lr, $3  }
0x3a: {  	_ = 	snop  }
0x3b: {  	_ = 	snop  }
0x3c: {  	p2 =	seq.s32 s10, $0x1;
	s10 =	sld [smem:$0x3FA0]  }
0x3d: {  	_ =	shalt  }
0x3e: {  	_ =	shalt  }
0x3f: {  	_ =	shalt  }
0x40: {  	_ =	shalt  }
0x41: {  	_ =	shalt  }
0x42: {  	_ =	shalt  }
0x43: {  	_ =	shalt  }
0x44: {  	_ =	shalt  }
0x45: {  	_ =	shalt  }
0x46: {  	_ =	shalt  }
0x47: {  	_ =	shalt  }
0x48: {  	_ =	shalt  }
0x49: {  	_ =	shalt  }
0x4a: {  	_ =	shalt  }
0x4b: {  	_ =	shalt  }
0x4c: {  	_ =	shalt  }
0x4d: {  	_ =	shalt  }
0x4e: {  	_ =	shalt  }
0x4f: {  	_ =	shalt  }
0x50: {  	_ =	shalt  }
0x51: {  	_ =	shalt  }
0x52: {  	_ =	shalt  }
0x53: {  	_ =	shalt  }
0x54: {  	_ =	shalt  }
0x55: {  	_ =	shalt  }
0x56: {  	_ =	shalt  }
0x57: {  	_ =	shalt  }
0x58: {  	_ =	shalt  }
0x59: {  	_ =	shalt  }
0x5a: {  	_ =	shalt  }
0x5b: {  	_ =	shalt  }
0x5c: {  	_ =	shalt  }
0x5d: {  	_ =	shalt  }
0x5e: {  	_ =	shalt  }
0x5f: {  	_ =	shalt  }
0x60: {  	_ =	shalt  }
0x61: {  	_ =	shalt  }
0x62: {  	_ =	shalt  }
0x63: {  	_ =	shalt  }
0x64: {  	_ =	shalt  }
0x65: {  	_ =	shalt  }
0x66: {  	_ =	shalt  }
0x67: {  	_ =	shalt  }
0x68: {  	_ =	shalt  }
0x69: {  	_ =	shalt  }
0x6a: {  	_ =	shalt  }
0x6b: {  	_ =	shalt  }
0x6c: {  	_ =	shalt  }
0x6d: {  	_ =	shalt  }
0x6e: {  	_ =	shalt  }
0x6f: {  	_ =	shalt  }
0x70: {  	_ =	shalt  }
0x71: {  	_ =	shalt  }
0x72: {  	_ =	shalt  }
0x73: {  	_ =	shalt  }
0x74: {  	_ =	shalt  }
0x75: {  	_ =	shalt  }
0x76: {  	_ =	shalt  }
0x77: {  	_ =	shalt  }
0x78: {  	_ =	shalt  }
0x79: {  	_ =	shalt  }
0x7a: {  	_ =	shalt  }
0x7b: {  	_ =	shalt  }
0x7c: {  	_ =	shalt  }
0x7d: {  	_ =	shalt  }
0x7e: {  	_ =	shalt  }
0x7f: {  	_ =	shalt  }
0x80: {  	_ =	shalt  }
0x81: {  	_ =	shalt  }
0x82: {  	_ =	shalt  }
0x83: {  	_ =	shalt  }
0x84: {  	_ =	shalt  }
0x85: {  	_ =	shalt  }
0x86: {  	_ =	shalt  }
0x87: {  	_ =	shalt  }
.Lfunc_end0:
.L_simem_size_0:
called_computation.2_lowered:
.L_overlay_start_0:
0x88: {  	s2 =	sld [smem:$0x3FD9]  }
0x89: {  	s3 =	sld [smem:$0x3FFE];
	_ =	sdelay $0x1  }
0x8a: {  	s1 =	srdreg.scid  }
0x8b: {  	s0 =	sand.u32 $0x1, s1  }
0x8c: {  	s16 =	sshll.u32 s0, $0xA;
	s2 =	sadd.s32 s3, s2  }
0x8d: {  	s2 =	sadd.s32 s2, s16  }
0x8e: {  	[smem:$0x3FAC] =	sst s2  }
0x8f: {  	_ = 	snop  }
0x90: {  	(tm) =	ssettm $0x1  }
0x91: {  	s17 =	sld [smem:$0x3FFB];
	_ =	sdelay $0x3  }
0x92: {  	_ =	strace s17  }
0x93: {  	s2 =	sld [smem:$0x3FFC];
	_ =	sdelay $0x3  }
0x94: {  	_ =	strace s2  }
0x95: {  	s2 =	sld [smem:$0x3FFD];
	_ =	sdelay $0x3  }
0x96: {  	_ =	strace s2  }
0x97: {  	_ =	strace $0x8FFFFFFF  }
0x98: {  	s18 =	sld [smem:$0x3FDB];
	_ =	sdelay $0x1  }
0x99: {  	s19 =	simm.s32 $_scs_section_size  }
0x9a: {  	s4 =	simm.s32 $_size__tile_overlayer_lowered;
	s5 =	simm.s32 $_tile_overlayer_lowered  }
0x9b: {  	s22 =	simm.s32 $0x1BFF;
	s21 =	sshll.u32 s5, $0x1;
	s2 =	sadd.s32 s19, s18  }
0x9c: {  	s6 =	simm.s32 $0x0;
	s20 =	sshll.u32 s4, $0x1;
	s4 =	sadd.s32 s21, s2  }
0x9d: {  	[timem:s6], [sflag:s22] =	dma.local [hbm:s4], s20  }
0x9e: {  	_ =	swait.ge [sflag:s22], s20  }
0x9f: {  	s3 =	ssub.s32 $0x0, s20;
	[sflag:s22] =	ssyncset.done $0x0  }
0xa0: {  	[sflag:s22] =	ssyncadd.s32 s3;
	_ =	sdelay $0x1  }
0xa1: {  	s23 =	simm.s32 $0x1B8B  }
0xa2: {  	_ =	swait.ge [sflag:s23], $0x1  }
0xa3: {  	[sflag:s23] =	ssyncset.done $0x0  }
0xa4: {  	s25 =	simm.s32 $0x1B8E;
	s24 =	sld [smem:$0x3FFE];
	[sflag:s23] =	ssyncadd.s32 $0xFFFFFFFF  }
0xa5: {  	s26 =	simm.s32 $execute0_lowered;
	[smem:$0x3FD2] =	sst s25  }
0xa6: {  	s4 =	sshll.u32 s26, $0x1;
	_ =	strace $0x8000004C;
	[dreg:$0x1] =	wrdreg $0xFFFFFFFF  }
0xa7: {  	s28 =	simm.s32 $_size_execute0_lowered;
	s2 =	sadd.s32 s2, s4;
	[dreg:$0x0] =	wrdreg $0x0  }
0xa8: {  	s4 =	sshll.u32 s28, $0x1;
	[dreg:$0x2] =	wrdreg s2  }
0xa9: {  	[dreg:$0x3] =	wrdreg s4  }
0xaa: {  	[dreg:$0x4] =	wrdreg $0xC0  }
0xab: {  	_ =	task [dreg:s6], $0x5FFFF  }
0xac: {  	[dreg:$0x1] =	wrdreg $0xFFFFFFFF  }
0xad: {  	[dreg:$0x0] =	wrdreg $0x60  }
0xae: {  	[dreg:$0x2] =	wrdreg s24  }
0xaf: {  	[dreg:$0x3] =	wrdreg $0x0  }
0xb0: {  	[dreg:$0x4] =	wrdreg $0xA0000  }
0xb1: {  	[dreg:$0x5] =	wrdreg $0x9  }
0xb2: {  	_ =	task.clear_ibuf [dreg:s6], $0x6FFFF;
	_ =	strace $0x9000004C  }
0xb3: {  	s29 =	simm.s32 $0x9;
	_ =	strace $0x8000004E  }
0xb4: {  	_ =	swait.ge [sflag:s29], $0x1  }
0xb5: {  	[sflag:s29] =	ssyncadd.s32 $0xFFFFFFFF  }
0xb6: {  	_ =	strace $0x9000004E  }
0xb7: {  	_ =	sfence  }
0xb8: {  	s30 =	sld [smem:$0x0];
	_ =	sdelay $0x2  }
0xb9: {  	s31 =	sshll.u32 s1, $0xD;
	s1 =	sshrl.u32 s1, $0x2  }
0xba: {  	s3 =	sand.u32 $0x4000, s31;
	s1 =	sadd.s32 s1, s30  }
0xbb: {  	s0 =	sor.u32 s3, s0;
	s1 =	sshll.u32 s1, $0x11  }
0xbc: {  	s0 =	sor.u32 s1, s0  }
0xbd: {  	s0 =	sadd.s32 $0x8F2B, s0  }
0xbe: {  	[sflag:s0] =	ssyncadd.remote.s32 $0x1  }
0xbf: {  	_ =	sfence.sel $0xFFFF  }
0xc0: {  	[dreg:$0x0] =	wrdreg $0xFFFFFFFF;
	(pc) =	sbr.abs _section_cstart, $3  }
0xc1: {  	[dreg:$0x1] =	wrdreg $0xFFFFFFFF  }
0xc2: {  	_ =	task.clear_ibuf [dreg:s6], $0x2FFFF;
	_ =	strace $0x9FFFFFFF  }
0xc3: {  	(tm) =	ssettm $0x7FFFFFFF  }
tec
execute0_lowered:
.L_overlay_start_1:
0x0: {  	(tag) =	ssettag $0x1  }
0x1: {  	s8 =	rddreg [dreg:$0x0]  }
0x2: {  	s1 =	rddreg [dreg:$0x1]  }
0x3: {  	s2 =	rddreg [dreg:$0x2]  }
0x4: {  	s3 =	srdreg.scid;
	s4 =	simm.s32 $0x0;
	s17 =	simm.s32 $0x1  }
0x5: {  	s18 =	simm.s32 $0x2;
	s19 =	simm.s32 $0x14000;
	s20 =	simm.s32 $0x3  }
0x6: {  	s21 =	simm.s32 $0x15400;
	s22 =	simm.s32 $0x80;
	s23 =	simm.s32 $0x16800  }
0x7: {  	s24 =	simm.s32 $0x14080;
	s25 =	simm.s32 $0x1A800;
	s26 =	simm.s32 $0x16700  }
0x8: {  	s28 =	simm.s32 $0x16780;
	s7 =	sand.u32 $0x1, s3;
	s3 =	stileid.u32  }
0x9: {  	[smem:$0x7FF] =	sst s4;
	s5 =	sadd.s32 $0x54C00, s8;
	s9 =	smul.u32 $0x140000, s7  }
0xa: {  	s6 =	sadd.s32 $0x5EC00, s8;
	s11 =	smul.u32 $0x14000, s3;
	s10 =	ssub.s32 $0x2, s7  }
0xb: {  	_ =	strace $0x8000004D;
	s7 =	sadd.s32 $0x68C00, s8;
	s12 =	sshrl.u32 s10, $0x1  }
0xc: {  	s9 =	sadd.s32 s11, s9;
	s14 =	ssub.s32 s10, s12;
	s15 =	sadd.s32 s11, s1  }
0xd: {  	s16 =	sadd.s32 s11, s2;
	s11 =	smul.u32 $0x5000, s3;
	s9 =	sshrl.u32 s9, $0x3  }
0xe: {  	s16 =	sshrl.u32 s16, $0x3;
	s13 =	sadd.s32 s9, s8;
	s8 =	sshll.u32 s3, $0x6  }
0xf: {  	s9 =	sadd.s32 $0x4C00, s13;
	s10 =	sor.u32 $0x1C01, s8;
	s12 =	sadd.s32 $0x6B400, s13  }
0x10: {  	s13 =	smax.u32 s14, $0x1;
	s14 =	sshrl.u32 s15, $0x3;
	s15 =	sor.u32 $0x1C02, s8  }
.LBB2_1:
0x11: {  	[spmem:s14], [sflag:s10] =	dma.local [hbm:s9], $0x2800  }
0x12: {  	[spmem:s16], [sflag:s15] =	dma.local [hbm:s7], $0x2800  }
0x13: {  	_ =	swait.ge [sflag:s17], $0x2800  }
0x14: {  	[sflag:s17] =	ssyncset.done $0x0  }
0x15: {  	[sflag:s17] =	ssyncadd.s32 $0xFFFFD800  }
0x16: {  	_ =	swait.ge [sflag:s18], $0x2800  }
0x17: {  	[sflag:s18] =	ssyncset.done $0x0  }
0x18: {  	[sflag:s18] =	ssyncadd.s32 $0xFFFFD800  }
0x19: {  	s29 =	simm.s32 $0x0;
	[bflag:$0x0] =	sbarrier.arrive $0xFFFF  }
.LBB2_2:
0x1a: {  	s30 =	smul.u32 $0x1400, s29;
	_ =	sdelay $0x1  }
0x1b: {  	s30 =	sadd.s32 s11, s30  }
0x1c: {  	s30 =	sshrl.u32 s30, $0x3  }
0x1d: {  	s0 =	simm.s32 $0x0;
	s31 =	sadd.s32 s5, s30  }
0x1e: {  	[tilespmem:s19], [sflag:$0x3] =	stream.linear.gather [hbm4b:s31+s0], $0x1400, $0x38;
	[tilespmem:$0x1E800] =	vst v63  }
0x1f: {  	_ =	swait.ge [sflag:s20], $0x1400  }
0x20: {  	[sflag:s20] =	ssyncset.done $0x0  }
0x21: {  	s30 =	sadd.s32 s6, s30;
	[sflag:s20] =	ssyncadd.s32 $0xFFFFEC00  }
0x22: {  	[tilespmem:s21], [sflag:$0x3] =	stream.linear.gather [hbm4b:s30+s0], $0x1400, $0x38;
	[tilespmem:$0x1E800] =	vst v63  }
0x23: {  	_ =	swait.ge [sflag:s20], $0x1400  }
0x24: {  	[sflag:s20] =	ssyncset.done $0x0  }
0x25: {  	[sflag:s20] =	ssyncadd.s32 $0xFFFFEC00  }
0x26: {  	[tilespmem:s23], [sflag:$0x1] =	stream.indirect.gather [spmem:s1], $0x40, s19, s22, $0xb8;
	[tilespmem:$0x1E800] =	vst v63  }
0x27: {  	_ = 	snop  }
0x28: {  	[tilespmem:s25], [sflag:$0x2] =	stream.indirect.gather [spmem:s1], $0x40, s24, s22, $0xb8;
	[tilespmem:$0x1E800] =	vst v63  }
0x29: {  	_ =	swait.ge [sflag:s17], $0x2000  }
0x2a: {  	[sflag:s17] =	ssyncset.done $0x0  }
0x2b: {  	s0 =	simm.s32 $0x15400;
	[sflag:s17] =	ssyncadd.s32 $0xFFFFE000  }
0x2c: {  	[spmem:s2] =	stream.indirect.scatter.add.f32 [tilespmem:s23], [sflag:$0x3], $0x40, s0, s22, $0xb8;
	[tilespmem:$0x1E800] =	vst v63  }
0x2d: {  	_ =	swait.ge [sflag:s20], $0x2000  }
0x2e: {  	[sflag:s20] =	ssyncset.done $0x0  }
0x2f: {  	s0 =	simm.s32 $0x14100;
	[sflag:s20] =	ssyncadd.s32 $0xFFFFE000  }
0x30: {  	[tilespmem:s23], [sflag:$0x1] =	stream.indirect.gather [spmem:s1], $0x40, s0, s22, $0xb8;
	[tilespmem:$0x1E800] =	vst v63  }
0x31: {  	_ =	swait.ge [sflag:s18], $0x2000  }
0x32: {  	[sflag:s18] =	ssyncset.done $0x0  }
0x33: {  	s0 =	simm.s32 $0x15480;
	[sflag:s18] =	ssyncadd.s32 $0xFFFFE000  }
0x34: {  	[spmem:s2] =	stream.indirect.scatter.add.f32 [tilespmem:s25], [sflag:$0x3], $0x40, s0, s22, $0xb8;
	[tilespmem:$0x1E800] =	vst v63  }
0x35: {  	_ =	swait.ge [sflag:s20], $0x2000  }
0x36: {  	[sflag:s20] =	ssyncset.done $0x0  }
0x37: {  	s31 =	simm.s32 $0x14180;
	s30 =	simm.s32 $0x400;
	[sflag:s20] =	ssyncadd.s32 $0xFFFFE000  }
.LBB2_3:
0x38: {  	[tilespmem:s25], [sflag:$0x2] =	stream.indirect.gather [spmem:s1], $0x40, s31, s22, $0xb8;
	[tilespmem:$0x1E800] =	vst v63  }
0x39: {  	s0 =	smov.u32 s30  }
0x3a: {  	p0 =	sne.s32 s30, $0x4800;
	s30 =	sadd.s32 $0x400, s30;
	_ =	swait.ge [sflag:s17], $0x2000  }
0x3b: {  	s0 =	sshra.s32 s0, $0x2;
	[sflag:s17] =	ssyncset.done $0x0  }
0x3c: {  	s31 =	sadd.s32 $0x15400, s0;
	[sflag:s17] =	ssyncadd.s32 $0xFFFFE000  }
0x3d: {  	[spmem:s2] =	stream.indirect.scatter.add.f32 [tilespmem:s23], [sflag:$0x3], $0x40, s31, s22, $0xb8;
	[tilespmem:$0x1E800] =	vst v63  }
0x3e: {  	_ =	swait.ge [sflag:s20], $0x2000  }
0x3f: {  	[sflag:s20] =	ssyncset.done $0x0  }
0x40: {  	s31 =	sadd.s32 $0x14100, s0;
	[sflag:s20] =	ssyncadd.s32 $0xFFFFE000  }
0x41: {  	[tilespmem:s23], [sflag:$0x1] =	stream.indirect.gather [spmem:s1], $0x40, s31, s22, $0xb8;
	[tilespmem:$0x1E800] =	vst v63  }
0x42: {  	_ =	swait.ge [sflag:s18], $0x2000  }
0x43: {  	[sflag:s18] =	ssyncset.done $0x0  }
.Ltmp0:
0x44: {  	s31 =	sadd.s32 $0x15480, s0;
	[sflag:s18] =	ssyncadd.s32 $0xFFFFE000;
	(pc) =	sbr.rel @p0 .LBB2_3-.Ltmp0, $4  }
0x45: {  	[spmem:s2] =	stream.indirect.scatter.add.f32 [tilespmem:s25], [sflag:$0x3], $0x40, s31, s22, $0xb8;
	[tilespmem:$0x1E800] =	vst v63  }
0x46: {  	_ =	swait.ge [sflag:s20], $0x2000  }
0x47: {  	[sflag:s20] =	ssyncset.done $0x0  }
0x48: {  	s31 =	sadd.s32 $0x14180, s0;
	[sflag:s20] =	ssyncadd.s32 $0xFFFFE000  }
0x49: {  	[tilespmem:s25], [sflag:$0x2] =	stream.indirect.gather [spmem:s1], $0x40, s31, s22, $0xb8;
	[tilespmem:$0x1E800] =	vst v63  }
0x4a: {  	_ =	swait.ge [sflag:s17], $0x2000  }
0x4b: {  	[sflag:s17] =	ssyncset.done $0x0  }
0x4c: {  	[sflag:s17] =	ssyncadd.s32 $0xFFFFE000  }
0x4d: {  	[spmem:s2] =	stream.indirect.scatter.add.f32 [tilespmem:s23], [sflag:$0x3], $0x40, s26, s22, $0xb8;
	[tilespmem:$0x1E800] =	vst v63  }
0x4e: {  	_ =	swait.ge [sflag:s20], $0x2000  }
0x4f: {  	[sflag:s20] =	ssyncset.done $0x0  }
0x50: {  	[sflag:s20] =	ssyncadd.s32 $0xFFFFE000  }
0x51: {  	s29 =	sadd.s32 $0x1, s29;
	_ =	swait.ge [sflag:s18], $0x2000  }
0x52: {  	p0 =	sne.s32 s29, $0x4;
	[sflag:s18] =	ssyncset.done $0x0  }
.Ltmp1:
0x53: {  	[sflag:s18] =	ssyncadd.s32 $0xFFFFE000;
	(pc) =	sbr.rel @p0 .LBB2_2-.Ltmp1, $4  }
0x54: {  	[spmem:s2] =	stream.indirect.scatter.add.f32 [tilespmem:s25], [sflag:$0x3], $0x40, s28, s22, $0xb8;
	[tilespmem:$0x1E800] =	vst v63  }
0x55: {  	_ =	swait.ge [sflag:s20], $0x2000  }
0x56: {  	[sflag:s20] =	ssyncset.done $0x0  }
0x57: {  	[sflag:s20] =	ssyncadd.s32 $0xFFFFE000  }
0x58: {  	s4 =	sadd.s32 $0x1, s4  }
0x59: {  	p0 =	sne.s32 s4, s13  }
.Ltmp2:
0x5a: {  	[bflag:$0x0] =	sbarrier.arrive $0xFFFF;
	s0 =	sor.u32 $0x1C03, s8;
	(pc) =	sbr.rel @p0 .LBB2_1-.Ltmp2, $4  }
0x5b: {  	[hbm:s12], [sflag:s0] =	dma.local [spmem:s16], $0x2800  }
0x5c: {  	_ =	swait.ge [sflag:s20], $0x2800  }
0x5d: {  	[sflag:s20] =	ssyncset.done $0x0  }
0x5e: {  	[sflag:s20] =	ssyncadd.s32 $0xFFFFD800  }
0x5f: {  	_ =	sfence.sel $0x180000  }
0x60: {  	[bflag:$0x0] =	sbarrier.arrive $0xFFFF  }
0x61: {  	_ =	strace $0x9000004D  }
0x62: {  	[bflag:$0x2] =	sbarrier.arrive $0xFFFF  }
0x63: {  	p0 =	sne.s32 s3, $0x0;
	s0 =	rddreg [dreg:$0x3]  }
0x64: {  	s0 =	sadd.s32 @!p0 $0x100000, s0  }
0x65: {  	[sflag:s0] =	ssyncadd.tile.s32 @!p0 $0x1;
	_ =	shalt  }
.Lfunc_end2:
_tile_overlayer_lowered:
.L_overlay_start_2:
0x66: {  	(tag) =	ssettag $0x2  }
0x67: {  	s0 =	rddreg [dreg:$0x0];
	s2 =	stileid.u32  }
0x68: {  	s1 =	rddreg [dreg:$0x1];
	p0 =	sne.s32 s2, $0x0  }
0x69: {  	s3 =	rddreg [dreg:$0x2];
	[bflag:$0x3] =	sbarrier.arrive $0xFFFF;
	s2 =	simm.s32 @!p0 $0x1C03  }
0x6a: {  	[timem:s3], [sflag:s2] =	dma.local @!p0 [hbm:s0], s1  }
0x6b: {  	s0 =	simm.s32 @!p0 $0x3  }
0x6c: {  	_ =	swait.ge @!p0 [sflag:s0], s1  }
0x6d: {  	s1 =	ssub.s32 @!p0 $0x0, s1;
	[sflag:s0] =	ssyncset.done @!p0 $0x0  }
0x6e: {  	[sflag:s0] =	ssyncadd.s32 @!p0 s1  }
0x6f: {  	[bflag:$0x3] =	sbarrier.arrive $0xFFFF  }
0x70: {  	_ =	shalt  }

// kernel: kernel.8.cloned.1.call-start
scs
__scs_entry_jumppad:
0x0: {  	(pc) =	sbr.rel $0x88, $3  }
0x1: {  	(tag) =	ssettag $0x0;
	lr =	simm.s32 $0x1  }
0x2: {  	[smem:$0x3F85] =	sst lr;
	_ =	strace $0xD0000000  }
0x3: {  	_ = 	snop  }
0x4: {  	_ = 	snop  }
0x5: {  	_ = 	snop  }
0x6: {  	_ = 	snop  }
0x7: {  	_ = 	snop  }
__scs_overlays_trampoline_lowered:
0x8: {  	[smem:$0x3F94] =	sst s0  }
0x9: {  	[smem:$0x3F95] =	sst s1  }
0xa: {  	[smem:$0x3F96] =	sst s2  }
0xb: {  	[smem:$0x3F97] =	sst s3  }
0xc: {  	[smem:$0x3F98] =	sst s4  }
0xd: {  	[smem:$0x3F99] =	sst s5  }
0xe: {  	[smem:$0x3F9A] =	sst s6  }
0xf: {  	[smem:$0x3F9B] =	sst s7  }
0x10: {  	[smem:$0x3F9C] =	sst s8  }
0x11: {  	[smem:$0x3F9D] =	sst s9;
	s0 =	simm.s32 @!p0 $0x0  }
0x12: {  	s1 =	sld [smem:$0x3F83];
	s0 =	simm.s32 @p0 $0x1  }
0x13: {  	[smem:$0x3F9E] =	sst s0;
	s0 =	simm.s32 @!p1 $0x0  }
0x14: {  	s2 =	sld [smem:$0x3F82];
	s0 =	simm.s32 @p1 $0x1  }
0x15: {  	[smem:$0x3F9F] =	sst s0;
	s0 =	simm.s32 @!p2 $0x0  }
0x16: {  	s3 =	sld [smem:$0x3FDB];
	s0 =	simm.s32 @p2 $0x1  }
0x17: {  	s4 =	simm.s32 $0x1BF5;
	[smem:$0x3FA1] =	sst s0  }
0x18: {  	s0 =	sld [smem:$0x3F84];
	_ =	swait.ge [sflag:s4], $0x0  }
0x19: {  	s7 =	sld [smem:$0x3F85]  }
0x1a: {  	s8 =	sadd.s32 $0xFFFFE003, lr  }
0x1b: {  	s9 =	sadd.s32 $0xFFFFFEF7, lr;
	s5 =	simm.s32 $0xFFFFFFFF;
	p2 =	slt.u32 s8, $0xFFFFF086  }
0x1c: {  	p1 =	slt.u32 s9, $0xF7A;
	s5 =	simm.s32 @!p2 $0x0  }
0x1d: {  	s5 =	simm.s32 @p1 $0x1;
	p0 =	seq.s32 s7, s2  }
0x1e: {  	s7 =	smul.u32 @!p0 $0xF7A, s2;
	p2 =	seq.s32 @!p0 s5, $0x0  }
0x1f: {  	s9 =	smul.u32 $0xF7A, s1;
	s8 =	simm.s32 @!p0 $0x1BF5;
	p2 =	por !p2, p0  }
0x20: {  	[sflag:s8] =	ssyncset.s32 @!p0 $0xFFFFF086;
	s6 =	sadd.s32 @!p0 s3, s7;
	s7 =	simm.s32 @!p0 $0x108  }
0x21: {  	s3 =	sadd.s32 s3, s9;
	s6 =	sadd.s32 @!p0 $0x88, s6;
	s7 =	simm.s32 @p2 $0x1082  }
0x22: {  	[simem:s7], [sflag:s8] =	dma.local @!p0 [hbm:s6], $0xF7A  }
0x23: {  	s9 =	sor.u32 $0xD0000000, s2;
	s6 =	simm.s32 $0x108;
	_ =	swait.ge @!p0 [sflag:s8], $0x0  }
0x24: {  	s3 =	sadd.s32 $0x88, s3;
	s6 =	simm.s32 @!p1 $0x1082;
	[sflag:s4] =	ssyncset.s32 $0xFFFFF086  }
0x25: {  	[simem:s6], [sflag:s4] =	dma.local [hbm:s3], $0xF7A  }
0x26: {  	[smem:$0x3F85] =	sst s1;
	(tag) =	ssettag s2;
	_ =	strace s9  }
0x27: {  	s1 =	sld [smem:$0x3F95]  }
0x28: {  	s2 =	sld [smem:$0x3F96]  }
0x29: {  	s4 =	sld [smem:$0x3F98]  }
0x2a: {  	p0 =	seq.s32 s5, $0x0;
	s5 =	sld [smem:$0x3F99]  }
0x2b: {  	s6 =	sld [smem:$0x3F9A]  }
0x2c: {  	s7 =	sld [smem:$0x3F9B]  }
0x2d: {  	s3 =	simm.s32 $0x108;
	s8 =	sld [smem:$0x3F9C]  }
0x2e: {  	s3 =	simm.s32 @!p0 $0x1082;
	s9 =	sld [smem:$0x3F9D]  }
0x2f: {  	lr =	sadd.s32 s0, s3;
	s0 =	sld [smem:$0x3F94]  }
0x30: {  	s3 =	sld [smem:$0x3F97]  }
0x31: {  	[smem:$0x3FA0] =	sst s10  }
0x32: {  	s10 =	sld [smem:$0x3F9E];
	_ =	sdelay $0x3  }
0x33: {  	p0 =	seq.s32 s10, $0x1;
	s10 =	sld [smem:$0x3FA0];
	_ =	sdelay $0x3  }
0x34: {  	[smem:$0x3FA0] =	sst s10  }
0x35: {  	s10 =	sld [smem:$0x3F9F];
	_ =	sdelay $0x3  }
0x36: {  	p1 =	seq.s32 s10, $0x1;
	s10 =	sld [smem:$0x3FA0];
	_ =	sdelay $0x3  }
0x37: {  	[smem:$0x3FA0] =	sst s10  }
0x38: {  	s10 =	sld [smem:$0x3FA1]  }
0x39: {  	_ = 	snop;
	(pc) =	sbr.ind lr, $3  }
0x3a: {  	_ = 	snop  }
0x3b: {  	_ = 	snop  }
0x3c: {  	p2 =	seq.s32 s10, $0x1;
	s10 =	sld [smem:$0x3FA0]  }
0x3d: {  	_ =	shalt  }
0x3e: {  	_ =	shalt  }
0x3f: {  	_ =	shalt  }
0x40: {  	_ =	shalt  }
0x41: {  	_ =	shalt  }
0x42: {  	_ =	shalt  }
0x43: {  	_ =	shalt  }
0x44: {  	_ =	shalt  }
0x45: {  	_ =	shalt  }
0x46: {  	_ =	shalt  }
0x47: {  	_ =	shalt  }
0x48: {  	_ =	shalt  }
0x49: {  	_ =	shalt  }
0x4a: {  	_ =	shalt  }
0x4b: {  	_ =	shalt  }
0x4c: {  	_ =	shalt  }
0x4d: {  	_ =	shalt  }
0x4e: {  	_ =	shalt  }
0x4f: {  	_ =	shalt  }
0x50: {  	_ =	shalt  }
0x51: {  	_ =	shalt  }
0x52: {  	_ =	shalt  }
0x53: {  	_ =	shalt  }
0x54: {  	_ =	shalt  }
0x55: {  	_ =	shalt  }
0x56: {  	_ =	shalt  }
0x57: {  	_ =	shalt  }
0x58: {  	_ =	shalt  }
0x59: {  	_ =	shalt  }
0x5a: {  	_ =	shalt  }
0x5b: {  	_ =	shalt  }
0x5c: {  	_ =	shalt  }
0x5d: {  	_ =	shalt  }
0x5e: {  	_ =	shalt  }
0x5f: {  	_ =	shalt  }
0x60: {  	_ =	shalt  }
0x61: {  	_ =	shalt  }
0x62: {  	_ =	shalt  }
0x63: {  	_ =	shalt  }
0x64: {  	_ =	shalt  }
0x65: {  	_ =	shalt  }
0x66: {  	_ =	shalt  }
0x67: {  	_ =	shalt  }
0x68: {  	_ =	shalt  }
0x69: {  	_ =	shalt  }
0x6a: {  	_ =	shalt  }
0x6b: {  	_ =	shalt  }
0x6c: {  	_ =	shalt  }
0x6d: {  	_ =	shalt  }
0x6e: {  	_ =	shalt  }
0x6f: {  	_ =	shalt  }
0x70: {  	_ =	shalt  }
0x71: {  	_ =	shalt  }
0x72: {  	_ =	shalt  }
0x73: {  	_ =	shalt  }
0x74: {  	_ =	shalt  }
0x75: {  	_ =	shalt  }
0x76: {  	_ =	shalt  }
0x77: {  	_ =	shalt  }
0x78: {  	_ =	shalt  }
0x79: {  	_ =	shalt  }
0x7a: {  	_ =	shalt  }
0x7b: {  	_ =	shalt  }
0x7c: {  	_ =	shalt  }
0x7d: {  	_ =	shalt  }
0x7e: {  	_ =	shalt  }
0x7f: {  	_ =	shalt  }
0x80: {  	_ =	shalt  }
0x81: {  	_ =	shalt  }
0x82: {  	_ =	shalt  }
0x83: {  	_ =	shalt  }
0x84: {  	_ =	shalt  }
0x85: {  	_ =	shalt  }
0x86: {  	_ =	shalt  }
0x87: {  	_ =	shalt  }
.Lfunc_end0:
.L_simem_size_0:
called_computation_lowered:
.L_overlay_start_0:
0x88: {  	s2 =	sld [smem:$0x3FD9]  }
0x89: {  	s3 =	sld [smem:$0x3FFE];
	_ =	sdelay $0x1  }
0x8a: {  	s1 =	srdreg.scid  }
0x8b: {  	s0 =	sand.u32 $0x1, s1  }
0x8c: {  	s16 =	sshll.u32 s0, $0xA;
	s2 =	sadd.s32 s3, s2  }
0x8d: {  	s2 =	sadd.s32 s2, s16  }
0x8e: {  	[smem:$0x3FAC] =	sst s2  }
0x8f: {  	_ = 	snop  }
0x90: {  	(tm) =	ssettm $0x1  }
0x91: {  	s17 =	sld [smem:$0x3FFB];
	_ =	sdelay $0x3  }
0x92: {  	_ =	strace s17  }
0x93: {  	s2 =	sld [smem:$0x3FFC];
	_ =	sdelay $0x3  }
0x94: {  	_ =	strace s2  }
0x95: {  	s2 =	sld [smem:$0x3FFD];
	_ =	sdelay $0x3  }
0x96: {  	_ =	strace s2  }
0x97: {  	_ =	strace $0x8FFFFFFF  }
0x98: {  	s18 =	sld [smem:$0x3FDB];
	_ =	sdelay $0x1  }
0x99: {  	s19 =	simm.s32 $_scs_section_size  }
0x9a: {  	s4 =	simm.s32 $_size__tile_overlayer_lowered;
	s5 =	simm.s32 $_tile_overlayer_lowered  }
0x9b: {  	s22 =	simm.s32 $0x1BFF;
	s21 =	sshll.u32 s5, $0x1;
	s2 =	sadd.s32 s19, s18  }
0x9c: {  	s6 =	simm.s32 $0x0;
	s20 =	sshll.u32 s4, $0x1;
	s4 =	sadd.s32 s21, s2  }
0x9d: {  	[timem:s6], [sflag:s22] =	dma.local [hbm:s4], s20  }
0x9e: {  	_ =	swait.ge [sflag:s22], s20  }
0x9f: {  	s3 =	ssub.s32 $0x0, s20;
	[sflag:s22] =	ssyncset.done $0x0  }
0xa0: {  	[sflag:s22] =	ssyncadd.s32 s3;
	_ =	sdelay $0x1  }
0xa1: {  	s23 =	simm.s32 $0x1B8B  }
0xa2: {  	_ =	swait.ge [sflag:s23], $0x1  }
0xa3: {  	[sflag:s23] =	ssyncset.done $0x0  }
0xa4: {  	s25 =	simm.s32 $0x1B8E;
	s24 =	sld [smem:$0x3FFE];
	[sflag:s23] =	ssyncadd.s32 $0xFFFFFFFF  }
0xa5: {  	s26 =	simm.s32 $execute0_lowered;
	[smem:$0x3FD2] =	sst s25  }
0xa6: {  	s4 =	sshll.u32 s26, $0x1;
	_ =	strace $0x80000046;
	[dreg:$0x1] =	wrdreg $0xFFFFFFFF  }
0xa7: {  	s28 =	simm.s32 $_size_execute0_lowered;
	s2 =	sadd.s32 s2, s4;
	[dreg:$0x0] =	wrdreg $0x0  }
0xa8: {  	s4 =	sshll.u32 s28, $0x1;
	[dreg:$0x2] =	wrdreg s2  }
0xa9: {  	[dreg:$0x3] =	wrdreg s4  }
0xaa: {  	[dreg:$0x4] =	wrdreg $0xC0  }
0xab: {  	_ =	task [dreg:s6], $0x5FFFF  }
0xac: {  	[dreg:$0x1] =	wrdreg $0xFFFFFFFF  }
0xad: {  	[dreg:$0x0] =	wrdreg $0x60  }
0xae: {  	[dreg:$0x2] =	wrdreg s24  }
0xaf: {  	[dreg:$0x3] =	wrdreg $0x0  }
0xb0: {  	[dreg:$0x4] =	wrdreg $0xA0000  }
0xb1: {  	[dreg:$0x5] =	wrdreg $0x9  }
0xb2: {  	_ =	task.clear_ibuf [dreg:s6], $0x6FFFF;
	_ =	strace $0x90000046  }
0xb3: {  	s29 =	simm.s32 $0x9;
	_ =	strace $0x80000048  }
0xb4: {  	_ =	swait.ge [sflag:s29], $0x1  }
0xb5: {  	[sflag:s29] =	ssyncadd.s32 $0xFFFFFFFF  }
0xb6: {  	_ =	strace $0x90000048  }
0xb7: {  	_ =	sfence  }
0xb8: {  	s30 =	sld [smem:$0x0];
	_ =	sdelay $0x2  }
0xb9: {  	s31 =	sshll.u32 s1, $0xD;
	s1 =	sshrl.u32 s1, $0x2  }
0xba: {  	s3 =	sand.u32 $0x4000, s31;
	s1 =	sadd.s32 s1, s30  }
0xbb: {  	s0 =	sor.u32 s3, s0;
	s1 =	sshll.u32 s1, $0x11  }
0xbc: {  	s0 =	sor.u32 s1, s0  }
0xbd: {  	s0 =	sadd.s32 $0x8F2B, s0  }
0xbe: {  	[sflag:s0] =	ssyncadd.remote.s32 $0x1  }
0xbf: {  	_ =	sfence.sel $0xFFFF  }
0xc0: {  	[dreg:$0x0] =	wrdreg $0xFFFFFFFF;
	(pc) =	sbr.abs _section_cstart, $3  }
0xc1: {  	[dreg:$0x1] =	wrdreg $0xFFFFFFFF  }
0xc2: {  	_ =	task.clear_ibuf [dreg:s6], $0x2FFFF;
	_ =	strace $0x9FFFFFFF  }
0xc3: {  	(tm) =	ssettm $0x7FFFFFFF  }
tec
execute0_lowered:
.L_overlay_start_1:
0x0: {  	(tag) =	ssettag $0x1  }
0x1: {  	s8 =	rddreg [dreg:$0x0]  }
0x2: {  	s1 =	rddreg [dreg:$0x1]  }
0x3: {  	s2 =	rddreg [dreg:$0x2]  }
0x4: {  	s3 =	srdreg.scid;
	s4 =	simm.s32 $0x0;
	s17 =	simm.s32 $0x1  }
0x5: {  	s18 =	simm.s32 $0x2;
	s19 =	simm.s32 $0x14000;
	s20 =	simm.s32 $0x3  }
0x6: {  	s21 =	simm.s32 $0x15400;
	s22 =	simm.s32 $0x80;
	s23 =	simm.s32 $0x16800  }
0x7: {  	s24 =	simm.s32 $0x14080;
	s25 =	simm.s32 $0x1A800;
	s26 =	simm.s32 $0x16700  }
0x8: {  	s28 =	simm.s32 $0x16780;
	s7 =	sand.u32 $0x1, s3;
	s3 =	stileid.u32  }
0x9: {  	[smem:$0x7FF] =	sst s4;
	s5 =	sadd.s32 $0x54C00, s8;
	s9 =	smul.u32 $0x140000, s7  }
0xa: {  	s6 =	sadd.s32 $0x5EC00, s8;
	s11 =	smul.u32 $0x14000, s3;
	s10 =	ssub.s32 $0x2, s7  }
0xb: {  	_ =	strace $0x80000047;
	s7 =	sadd.s32 $0x68C00, s8;
	s12 =	sshrl.u32 s10, $0x1  }
0xc: {  	s9 =	sadd.s32 s11, s9;
	s14 =	ssub.s32 s10, s12;
	s15 =	sadd.s32 s11, s1  }
0xd: {  	s16 =	sadd.s32 s11, s2;
	s11 =	smul.u32 $0x5000, s3;
	s9 =	sshrl.u32 s9, $0x3  }
0xe: {  	s16 =	sshrl.u32 s16, $0x3;
	s13 =	sadd.s32 s9, s8;
	s8 =	sshll.u32 s3, $0x6  }
0xf: {  	s9 =	sadd.s32 $0x4C00, s13;
	s10 =	sor.u32 $0x1C01, s8;
	s12 =	sadd.s32 $0x6B400, s13  }
0x10: {  	s13 =	smax.u32 s14, $0x1;
	s14 =	sshrl.u32 s15, $0x3;
	s15 =	sor.u32 $0x1C02, s8  }
.LBB2_1:
0x11: {  	[spmem:s14], [sflag:s10] =	dma.local [hbm:s9], $0x2800  }
0x12: {  	[spmem:s16], [sflag:s15] =	dma.local [hbm:s7], $0x2800  }
0x13: {  	_ =	swait.ge [sflag:s17], $0x2800  }
0x14: {  	[sflag:s17] =	ssyncset.done $0x0  }
0x15: {  	[sflag:s17] =	ssyncadd.s32 $0xFFFFD800  }
0x16: {  	_ =	swait.ge [sflag:s18], $0x2800  }
0x17: {  	[sflag:s18] =	ssyncset.done $0x0  }
0x18: {  	[sflag:s18] =	ssyncadd.s32 $0xFFFFD800  }
0x19: {  	s29 =	simm.s32 $0x0;
	[bflag:$0x0] =	sbarrier.arrive $0xFFFF  }
.LBB2_2:
0x1a: {  	s30 =	smul.u32 $0x1400, s29;
	_ =	sdelay $0x1  }
0x1b: {  	s30 =	sadd.s32 s11, s30  }
0x1c: {  	s30 =	sshrl.u32 s30, $0x3  }
0x1d: {  	s0 =	simm.s32 $0x0;
	s31 =	sadd.s32 s5, s30  }
0x1e: {  	[tilespmem:s19], [sflag:$0x3] =	stream.linear.gather [hbm4b:s31+s0], $0x1400, $0x38;
	[tilespmem:$0x1E800] =	vst v63  }
0x1f: {  	_ =	swait.ge [sflag:s20], $0x1400  }
0x20: {  	[sflag:s20] =	ssyncset.done $0x0  }
0x21: {  	s30 =	sadd.s32 s6, s30;
	[sflag:s20] =	ssyncadd.s32 $0xFFFFEC00  }
0x22: {  	[tilespmem:s21], [sflag:$0x3] =	stream.linear.gather [hbm4b:s30+s0], $0x1400, $0x38;
	[tilespmem:$0x1E800] =	vst v63  }
0x23: {  	_ =	swait.ge [sflag:s20], $0x1400  }
0x24: {  	[sflag:s20] =	ssyncset.done $0x0  }
0x25: {  	[sflag:s20] =	ssyncadd.s32 $0xFFFFEC00  }
0x26: {  	[tilespmem:s23], [sflag:$0x1] =	stream.indirect.gather [spmem:s1], $0x40, s19, s22, $0xb8;
	[tilespmem:$0x1E800] =	vst v63  }
0x27: {  	_ = 	snop  }
0x28: {  	[tilespmem:s25], [sflag:$0x2] =	stream.indirect.gather [spmem:s1], $0x40, s24, s22, $0xb8;
	[tilespmem:$0x1E800] =	vst v63  }
0x29: {  	_ =	swait.ge [sflag:s17], $0x2000  }
0x2a: {  	[sflag:s17] =	ssyncset.done $0x0  }
0x2b: {  	s0 =	simm.s32 $0x15400;
	[sflag:s17] =	ssyncadd.s32 $0xFFFFE000  }
0x2c: {  	[spmem:s2] =	stream.indirect.scatter.add.f32 [tilespmem:s23], [sflag:$0x3], $0x40, s0, s22, $0xb8;
	[tilespmem:$0x1E800] =	vst v63  }
0x2d: {  	_ =	swait.ge [sflag:s20], $0x2000  }
0x2e: {  	[sflag:s20] =	ssyncset.done $0x0  }
0x2f: {  	s0 =	simm.s32 $0x14100;
	[sflag:s20] =	ssyncadd.s32 $0xFFFFE000  }
0x30: {  	[tilespmem:s23], [sflag:$0x1] =	stream.indirect.gather [spmem:s1], $0x40, s0, s22, $0xb8;
	[tilespmem:$0x1E800] =	vst v63  }
0x31: {  	_ =	swait.ge [sflag:s18], $0x2000  }
0x32: {  	[sflag:s18] =	ssyncset.done $0x0  }
0x33: {  	s0 =	simm.s32 $0x15480;
	[sflag:s18] =	ssyncadd.s32 $0xFFFFE000  }
0x34: {  	[spmem:s2] =	stream.indirect.scatter.add.f32 [tilespmem:s25], [sflag:$0x3], $0x40, s0, s22, $0xb8;
	[tilespmem:$0x1E800] =	vst v63  }
0x35: {  	_ =	swait.ge [sflag:s20], $0x2000  }
0x36: {  	[sflag:s20] =	ssyncset.done $0x0  }
0x37: {  	s31 =	simm.s32 $0x14180;
	s30 =	simm.s32 $0x400;
	[sflag:s20] =	ssyncadd.s32 $0xFFFFE000  }
.LBB2_3:
0x38: {  	[tilespmem:s25], [sflag:$0x2] =	stream.indirect.gather [spmem:s1], $0x40, s31, s22, $0xb8;
	[tilespmem:$0x1E800] =	vst v63  }
0x39: {  	s0 =	smov.u32 s30  }
0x3a: {  	p0 =	sne.s32 s30, $0x4800;
	s30 =	sadd.s32 $0x400, s30;
	_ =	swait.ge [sflag:s17], $0x2000  }
0x3b: {  	s0 =	sshra.s32 s0, $0x2;
	[sflag:s17] =	ssyncset.done $0x0  }
0x3c: {  	s31 =	sadd.s32 $0x15400, s0;
	[sflag:s17] =	ssyncadd.s32 $0xFFFFE000  }
0x3d: {  	[spmem:s2] =	stream.indirect.scatter.add.f32 [tilespmem:s23], [sflag:$0x3], $0x40, s31, s22, $0xb8;
	[tilespmem:$0x1E800] =	vst v63  }
0x3e: {  	_ =	swait.ge [sflag:s20], $0x2000  }
0x3f: {  	[sflag:s20] =	ssyncset.done $0x0  }
0x40: {  	s31 =	sadd.s32 $0x14100, s0;
	[sflag:s20] =	ssyncadd.s32 $0xFFFFE000  }
0x41: {  	[tilespmem:s23], [sflag:$0x1] =	stream.indirect.gather [spmem:s1], $0x40, s31, s22, $0xb8;
	[tilespmem:$0x1E800] =	vst v63  }
0x42: {  	_ =	swait.ge [sflag:s18], $0x2000  }
0x43: {  	[sflag:s18] =	ssyncset.done $0x0  }
.Ltmp0:
0x44: {  	s31 =	sadd.s32 $0x15480, s0;
	[sflag:s18] =	ssyncadd.s32 $0xFFFFE000;
	(pc) =	sbr.rel @p0 .LBB2_3-.Ltmp0, $4  }
0x45: {  	[spmem:s2] =	stream.indirect.scatter.add.f32 [tilespmem:s25], [sflag:$0x3], $0x40, s31, s22, $0xb8;
	[tilespmem:$0x1E800] =	vst v63  }
0x46: {  	_ =	swait.ge [sflag:s20], $0x2000  }
0x47: {  	[sflag:s20] =	ssyncset.done $0x0  }
0x48: {  	s31 =	sadd.s32 $0x14180, s0;
	[sflag:s20] =	ssyncadd.s32 $0xFFFFE000  }
0x49: {  	[tilespmem:s25], [sflag:$0x2] =	stream.indirect.gather [spmem:s1], $0x40, s31, s22, $0xb8;
	[tilespmem:$0x1E800] =	vst v63  }
0x4a: {  	_ =	swait.ge [sflag:s17], $0x2000  }
0x4b: {  	[sflag:s17] =	ssyncset.done $0x0  }
0x4c: {  	[sflag:s17] =	ssyncadd.s32 $0xFFFFE000  }
0x4d: {  	[spmem:s2] =	stream.indirect.scatter.add.f32 [tilespmem:s23], [sflag:$0x3], $0x40, s26, s22, $0xb8;
	[tilespmem:$0x1E800] =	vst v63  }
0x4e: {  	_ =	swait.ge [sflag:s20], $0x2000  }
0x4f: {  	[sflag:s20] =	ssyncset.done $0x0  }
0x50: {  	[sflag:s20] =	ssyncadd.s32 $0xFFFFE000  }
0x51: {  	s29 =	sadd.s32 $0x1, s29;
	_ =	swait.ge [sflag:s18], $0x2000  }
0x52: {  	p0 =	sne.s32 s29, $0x4;
	[sflag:s18] =	ssyncset.done $0x0  }
.Ltmp1:
0x53: {  	[sflag:s18] =	ssyncadd.s32 $0xFFFFE000;
	(pc) =	sbr.rel @p0 .LBB2_2-.Ltmp1, $4  }
0x54: {  	[spmem:s2] =	stream.indirect.scatter.add.f32 [tilespmem:s25], [sflag:$0x3], $0x40, s28, s22, $0xb8;
	[tilespmem:$0x1E800] =	vst v63  }
0x55: {  	_ =	swait.ge [sflag:s20], $0x2000  }
0x56: {  	[sflag:s20] =	ssyncset.done $0x0  }
0x57: {  	[sflag:s20] =	ssyncadd.s32 $0xFFFFE000  }
0x58: {  	s4 =	sadd.s32 $0x1, s4  }
0x59: {  	p0 =	sne.s32 s4, s13  }
.Ltmp2:
0x5a: {  	[bflag:$0x0] =	sbarrier.arrive $0xFFFF;
	s0 =	sor.u32 $0x1C03, s8;
	(pc) =	sbr.rel @p0 .LBB2_1-.Ltmp2, $4  }
0x5b: {  	[hbm:s12], [sflag:s0] =	dma.local [spmem:s16], $0x2800  }
0x5c: {  	_ =	swait.ge [sflag:s20], $0x2800  }
0x5d: {  	[sflag:s20] =	ssyncset.done $0x0  }
0x5e: {  	[sflag:s20] =	ssyncadd.s32 $0xFFFFD800  }
0x5f: {  	_ =	sfence.sel $0x180000  }
0x60: {  	[bflag:$0x0] =	sbarrier.arrive $0xFFFF  }
0x61: {  	_ =	strace $0x90000047  }
0x62: {  	[bflag:$0x2] =	sbarrier.arrive $0xFFFF  }
0x63: {  	p0 =	sne.s32 s3, $0x0;
	s0 =	rddreg [dreg:$0x3]  }
0x64: {  	s0 =	sadd.s32 @!p0 $0x100000, s0  }
0x65: {  	[sflag:s0] =	ssyncadd.tile.s32 @!p0 $0x1;
	_ =	shalt  }
.Lfunc_end2:
_tile_overlayer_lowered:
.L_overlay_start_2:
0x66: {  	(tag) =	ssettag $0x2  }
0x67: {  	s0 =	rddreg [dreg:$0x0];
	s2 =	stileid.u32  }
0x68: {  	s1 =	rddreg [dreg:$0x1];
	p0 =	sne.s32 s2, $0x0  }
0x69: {  	s3 =	rddreg [dreg:$0x2];
	[bflag:$0x3] =	sbarrier.arrive $0xFFFF;
	s2 =	simm.s32 @!p0 $0x1C03  }
0x6a: {  	[timem:s3], [sflag:s2] =	dma.local @!p0 [hbm:s0], s1  }
0x6b: {  	s0 =	simm.s32 @!p0 $0x3  }
0x6c: {  	_ =	swait.ge @!p0 [sflag:s0], s1  }
0x6d: {  	s1 =	ssub.s32 @!p0 $0x0, s1;
	[sflag:s0] =	ssyncset.done @!p0 $0x0  }
0x6e: {  	[sflag:s0] =	ssyncadd.s32 @!p0 s1  }
0x6f: {  	[bflag:$0x3] =	sbarrier.arrive $0xFFFF  }
0x70: {  	_ =	shalt  }

</sc_bundles>
